<compile_context>
chip_gen: v7x
topology: tpu7x:2x2x1
jax: 0.10.2.dev20260603
libtpu: 0.0.44.dev20260713+nightly
codegen_flags: <defaults>
</compile_context>

<pallas_src>
import functools

import jax
import jax.numpy as jnp
from jax import lax
from jax.experimental import pallas as pl
from jax.experimental.pallas import tpu as pltpu
from jax.experimental.pallas import tpu_sc as plsc

_NB = 2048
_NC = 2
_NS = 16
_FP = 640


def _argmin_kernel(qx_ref, qy_ref, q2_ref, pts_ref, idx_out_ref,
                   run_min, run_idx):
    i = pl.program_id(0)
    nb = pts_ref.shape[1]
    px = pts_ref[0:1, :].astype(jnp.bfloat16).astype(jnp.float32)
    py = pts_ref[1:2, :].astype(jnp.bfloat16).astype(jnp.float32)
    p2 = pts_ref[2:3, :]
    qx = qx_ref[...].astype(jnp.bfloat16).astype(jnp.float32)
    qy = qy_ref[...].astype(jnp.bfloat16).astype(jnp.float32)
    q2 = q2_ref[...]
    m1 = qx * px
    m2 = qy * py
    s = m1 + m2
    t = q2 + p2
    d2 = t - 2.0 * s
    d2 = jnp.maximum(d2, 0.0)
    bmin = jnp.min(d2, axis=1, keepdims=True)
    lane = jax.lax.broadcasted_iota(jnp.int32, d2.shape, 1) + i * nb
    cand = jnp.where(d2 == bmin, lane, jnp.int32(2**30))
    bidx = jnp.min(cand, axis=1, keepdims=True)

    @pl.when(i == 0)
    def _():
        run_min[...] = bmin
        run_idx[...] = bidx

    @pl.when(i > 0)
    def _():
        upd = bmin < run_min[...]
        run_min[...] = jnp.where(upd, bmin, run_min[...])
        run_idx[...] = jnp.where(upd, bidx, run_idx[...])

    @pl.when(i == pl.num_programs(0) - 1)
    def _():
        idx_out_ref[...] = run_idx[...]


def _norm_kernel(rows_ref, out_ref):
    rows = rows_ref[...]
    s = jnp.sum(rows, axis=1, keepdims=True)
    out_ref[...] = rows[:, :out_ref.shape[1]] / (s + 1e-6)


def kernel(positions, kernels, queries):
    n = positions.shape[0]
    q = queries.shape[0]
    c, h, w = kernels.shape[1:]
    f = c * h * w

    npad = ((n + _NB - 1) // _NB) * _NB
    pad = npad - n
    big = jnp.float32(1.0e6)
    px = jnp.concatenate([positions[:, 0], jnp.full((pad,), big, jnp.float32)])
    py = jnp.concatenate([positions[:, 1], jnp.full((pad,), big, jnp.float32)])
    p2 = px * px + py * py
    pts = jnp.stack([px, py, p2])

    qx = queries[:, 0:1]
    qy = queries[:, 1:2]
    q2 = jnp.sum(queries ** 2, axis=1)[:, None]

    idx = pl.pallas_call(
        _argmin_kernel,
        grid=(npad // _NB,),
        in_specs=[
            pl.BlockSpec((q, 1), lambda i: (0, 0)),
            pl.BlockSpec((q, 1), lambda i: (0, 0)),
            pl.BlockSpec((q, 1), lambda i: (0, 0)),
            pl.BlockSpec((3, _NB), lambda i: (0, i)),
        ],
        out_specs=pl.BlockSpec((q, 1), lambda i: (0, 0)),
        out_shape=jax.ShapeDtypeStruct((q, 1), jnp.int32),
        scratch_shapes=[
            pltpu.VMEM((q, 1), jnp.float32),
            pltpu.VMEM((q, 1), jnp.int32),
        ],
    )(qx, qy, q2, pts)
    idx = idx[:, 0]

    tablep = jnp.pad(kernels.reshape(n, f), ((0, 0), (0, _FP - f)))

    nw = _NC * _NS
    b_per_w = q // nw
    e2 = b_per_w * 2
    pos1 = positions.reshape(n * 2)
    fidx2 = (idx[:, None] * 2 + jnp.arange(2, dtype=jnp.int32)[None, :]).reshape(-1)
    mesh = plsc.VectorSubcoreMesh(core_axis_name="c", subcore_axis_name="s")

    @functools.partial(
        pl.kernel,
        mesh=mesh,
        out_type=[
            jax.ShapeDtypeStruct((q, _FP), jnp.float32),
            jax.ShapeDtypeStruct((q * 2,), jnp.float32),
        ],
        scratch_types=[
            pltpu.VMEM((b_per_w,), jnp.int32),
            pltpu.VMEM((b_per_w, _FP), jnp.float32),
            pltpu.VMEM((e2,), jnp.int32),
            pltpu.VMEM((e2,), jnp.float32),
            pltpu.SemaphoreType.DMA,
            pltpu.SemaphoreType.DMA,
        ],
    )
    def _sc_gather(table_hbm, pos_hbm, idx_hbm, fidx2_hbm, rows_out, xy_out,
                   idx_v, rows_v, fidx2_v, xy_v, sem1, sem2):
        wid = lax.axis_index("s") * _NC + lax.axis_index("c")
        base = wid * b_per_w
        pltpu.sync_copy(idx_hbm.at[pl.ds(base, b_per_w)], idx_v)
        pltpu.sync_copy(fidx2_hbm.at[pl.ds(wid * e2, e2)], fidx2_v)
        cp1 = pltpu.async_copy(table_hbm.at[idx_v], rows_v, sem1)
        cp2 = pltpu.async_copy(pos_hbm.at[fidx2_v], xy_v, sem2)
        cp1.wait()
        cp2.wait()
        pltpu.sync_copy(rows_v, rows_out.at[pl.ds(base, b_per_w)])
        pltpu.sync_copy(xy_v, xy_out.at[pl.ds(wid * e2, e2)])

    rows, xy = _sc_gather(tablep, pos1, idx, fidx2)
    xy = xy.reshape(q, 2)

    psf = pl.pallas_call(
        _norm_kernel,
        grid=(1,),
        in_specs=[pl.BlockSpec((q, _FP), lambda i: (0, 0))],
        out_specs=pl.BlockSpec((q, f), lambda i: (0, 0)),
        out_shape=jax.ShapeDtypeStruct((q, f), jnp.float32),
    )(rows)

    x_sel = xy[:, 0]
    y_sel = xy[:, 1]
    psf_sel = psf.reshape(q, c, h, w)
    return (x_sel, y_sel, psf_sel)

# --- scband reference (transcript-rebuilt; emitter-appended) ---
"""Pipeline reference for scband-psf-23665269801014 (READ-ONLY COPY).

The authoritative reference and input builder live on the scoring server;
editing this copy changes nothing except your own understanding.
"""

import jax, jax.numpy as jnp
import numpy as np

N = 100000
Q = 1024
C, H, W = 1, 25, 25

def norm_sum_to_one(x, eps=1e-06):
    return x / (x.sum(axis=(-1, -2), keepdims=True) + eps)

def setup_inputs(seed: int = 0) -> dict:
    key = jax.random.key(seed)
    k1, k2, k3 = jax.random.split(key, 3)
    positions = jax.random.uniform(k1, (N, 2), dtype=jnp.float32)
    kernels = jax.random.uniform(k2, (N, C, H, W), dtype=jnp.float32)
    queries = jax.random.uniform(k3, (Q, 2), dtype=jnp.float32)
    return {"positions": positions, "kernels": kernels, "queries": queries}

def reference(positions, kernels, queries):
    # __init__: normalize PSF stack so each kernel sums to one
    psfs = norm_sum_to_one(kernels)
    # get_psf_by_location vectorized over Q query points:
    # pairwise L2 distances [Q, N] via expansion (avoids materializing [Q, N, 2])
    q2 = jnp.sum(queries ** 2, axis=1)
    p2 = jnp.sum(positions ** 2, axis=1)
    d2 = q2[:, None] + p2[None, :] - 2.0 * (queries @ positions.T)
    dist = jnp.sqrt(jnp.maximum(d2, 0.0))
    # argmin == 1-NN retrieval
    idx = jnp.argmin(dist, axis=1)
    # get_psf_by_index: gather location + PSF of nearest site
    x_sel = jnp.take(positions[:, 0], idx, axis=0)
    y_sel = jnp.take(positions[:, 1], idx, axis=0)
    psf_sel = jnp.take(psfs, idx, axis=0)
    return (x_sel, y_sel, psf_sel)

if __name__ == "__main__":
    import jax
    _d = setup_inputs()
    print(jax.jit(kernel)(*tuple(_d.values())))

</pallas_src>

<mosaic_0001>
#map = affine_map<(d0, d1) -> (0, 0)>
#map1 = affine_map<(d0, d1) -> (0)>
module attributes {stable_mosaic.version = 14 : i64} {
  func.func @_sc_gather(%arg0: i32, %arg1: i32, %arg2: memref<100000x640xf32, #tpu.memory_space<hbm>>, %arg3: memref<200000xf32, #tpu.memory_space<hbm>>, %arg4: memref<1024xi32, #tpu.memory_space<hbm>>, %arg5: memref<2048xi32, #tpu.memory_space<hbm>>, %arg6: memref<1024x640xf32, #tpu.memory_space<hbm>>, %arg7: memref<2048xf32, #tpu.memory_space<hbm>>, %arg8: memref<32xi32, #tpu.memory_space<vmem>>, %arg9: memref<32x640xf32, #tpu.memory_space<vmem>>, %arg10: memref<64xi32, #tpu.memory_space<vmem>>, %arg11: memref<64xf32, #tpu.memory_space<vmem>>, %arg12: memref<!tpu.dma_semaphore, #tpu.memory_space<semaphore_mem>>, %arg13: memref<!tpu.dma_semaphore, #tpu.memory_space<semaphore_mem>>) attributes {dimension_semantics = [#tpu.dimension_semantics<core_parallel>, #tpu.dimension_semantics<subcore_parallel>], iteration_bounds = array<i64: 2, 16>, scalar_prefetch = 0 : i64, scratch_operands = 6 : i64, tpu.core_type = #tpu.core_type<sc_vector_subcore>, window_params = [{transform_indices = #map}, {transform_indices = #map1}, {transform_indices = #map1}, {transform_indices = #map1}, {transform_indices = #map}, {transform_indices = #map1}]} {
    %mul3A = arith.constant 2 : i32
    %mul3A_0 = arith.muli %arg1, %mul3A : i32
    %add3A = arith.addi %mul3A_0, %arg0 : i32
    %mul3A_1 = arith.constant 32 : i32
    %mul3A_2 = arith.muli %add3A, %mul3A_1 : i32
    "tpu.region"() ({
      %run_scoped3A = tpu.sem_alloc : memref<!tpu.dma_semaphore, #tpu.memory_space<semaphore_mem>>
      %dma_start3A_15 = tpu.memref_slice %arg4[%mul3A_2] : memref<1024xi32, #tpu.memory_space<hbm>> -> memref<32xi32, #tpu.memory_space<hbm>>
      %dma_start3A_16 = tpu.memref_slice %arg4[%mul3A_2] : memref<1024xi32, #tpu.memory_space<hbm>> -> memref<32xi32, #tpu.memory_space<hbm>>
      tpu.enqueue_dma source(%dma_start3A_16 : memref<32xi32, #tpu.memory_space<hbm>>) target(%arg8 : memref<32xi32, #tpu.memory_space<vmem>>) target_semaphore(%run_scoped3A : memref<!tpu.dma_semaphore, #tpu.memory_space<semaphore_mem>>)
      %dma_wait3A_17 = tpu.memref_slice %arg4[%mul3A_2] : memref<1024xi32, #tpu.memory_space<hbm>> -> memref<32xi32, #tpu.memory_space<hbm>>
      %dma_wait3A_18 = tpu.memref_slice %arg4[%mul3A_2] : memref<1024xi32, #tpu.memory_space<hbm>> -> memref<32xi32, #tpu.memory_space<hbm>>
      tpu.wait_dma2 semaphore(%run_scoped3A : memref<!tpu.dma_semaphore, #tpu.memory_space<semaphore_mem>>) src(%dma_wait3A_18 : memref<32xi32, #tpu.memory_space<hbm>>) dst(%arg8 : memref<32xi32, #tpu.memory_space<vmem>>)
      tpu.yield
    }) : () -> ()
    %mul3A_3 = arith.constant 64 : i32
    %mul3A_4 = arith.muli %add3A, %mul3A_3 : i32
    "tpu.region"() ({
      %run_scoped3A = tpu.sem_alloc : memref<!tpu.dma_semaphore, #tpu.memory_space<semaphore_mem>>
      %dma_start3A_15 = tpu.memref_slice %arg5[%mul3A_4] : memref<2048xi32, #tpu.memory_space<hbm>> -> memref<64xi32, #tpu.memory_space<hbm>>
      %dma_start3A_16 = tpu.memref_slice %arg5[%mul3A_4] : memref<2048xi32, #tpu.memory_space<hbm>> -> memref<64xi32, #tpu.memory_space<hbm>>
      tpu.enqueue_dma source(%dma_start3A_16 : memref<64xi32, #tpu.memory_space<hbm>>) target(%arg10 : memref<64xi32, #tpu.memory_space<vmem>>) target_semaphore(%run_scoped3A : memref<!tpu.dma_semaphore, #tpu.memory_space<semaphore_mem>>)
      %dma_wait3A_17 = tpu.memref_slice %arg5[%mul3A_4] : memref<2048xi32, #tpu.memory_space<hbm>> -> memref<64xi32, #tpu.memory_space<hbm>>
      %dma_wait3A_18 = tpu.memref_slice %arg5[%mul3A_4] : memref<2048xi32, #tpu.memory_space<hbm>> -> memref<64xi32, #tpu.memory_space<hbm>>
      tpu.wait_dma2 semaphore(%run_scoped3A : memref<!tpu.dma_semaphore, #tpu.memory_space<semaphore_mem>>) src(%dma_wait3A_18 : memref<64xi32, #tpu.memory_space<hbm>>) dst(%arg10 : memref<64xi32, #tpu.memory_space<vmem>>)
      tpu.yield
    }) : () -> ()
    %dma_start3A = arith.constant 0 : i32
    %dma_start3A_5 = arith.constant 0 : i32
    %dma_start3A_6 = tpu.memref_slice %arg2[%dma_start3A, %dma_start3A_5] : memref<100000x640xf32, #tpu.memory_space<hbm>> -> memref<100000x640xf32, #tpu.memory_space<hbm>>
    tpu.enqueue_indirect_dma source(%dma_start3A_6 : memref<100000x640xf32, #tpu.memory_space<hbm>>) target(%arg9 : memref<32x640xf32, #tpu.memory_space<vmem>>) offsets(%arg8 : memref<32xi32, #tpu.memory_space<vmem>>) semaphore(%arg12 : memref<!tpu.dma_semaphore, #tpu.memory_space<semaphore_mem>>)
    %dma_start3A_7 = arith.constant 0 : i32
    %dma_start3A_8 = tpu.memref_slice %arg3[%dma_start3A_7] : memref<200000xf32, #tpu.memory_space<hbm>> -> memref<200000xf32, #tpu.memory_space<hbm>>
    tpu.enqueue_indirect_dma source(%dma_start3A_8 : memref<200000xf32, #tpu.memory_space<hbm>>) target(%arg11 : memref<64xf32, #tpu.memory_space<vmem>>) offsets(%arg10 : memref<64xi32, #tpu.memory_space<vmem>>) semaphore(%arg13 : memref<!tpu.dma_semaphore, #tpu.memory_space<semaphore_mem>>)
    %dma_wait3A = arith.constant 0 : i32
    %dma_wait3A_9 = arith.constant 0 : i32
    %dma_wait3A_10 = tpu.memref_slice %arg2[%dma_wait3A, %dma_wait3A_9] : memref<100000x640xf32, #tpu.memory_space<hbm>> -> memref<100000x640xf32, #tpu.memory_space<hbm>>
    tpu.wait_indirect_dma semaphore(%arg12 : memref<!tpu.dma_semaphore, #tpu.memory_space<semaphore_mem>>) src(%dma_wait3A_10 : memref<100000x640xf32, #tpu.memory_space<hbm>>) dst(%arg9 : memref<32x640xf32, #tpu.memory_space<vmem>>)
    %dma_wait3A_11 = arith.constant 0 : i32
    %dma_wait3A_12 = tpu.memref_slice %arg3[%dma_wait3A_11] : memref<200000xf32, #tpu.memory_space<hbm>> -> memref<200000xf32, #tpu.memory_space<hbm>>
    tpu.wait_indirect_dma semaphore(%arg13 : memref<!tpu.dma_semaphore, #tpu.memory_space<semaphore_mem>>) src(%dma_wait3A_12 : memref<200000xf32, #tpu.memory_space<hbm>>) dst(%arg11 : memref<64xf32, #tpu.memory_space<vmem>>)
    "tpu.region"() ({
      %run_scoped3A = tpu.sem_alloc : memref<!tpu.dma_semaphore, #tpu.memory_space<semaphore_mem>>
      %dma_start3A_15 = arith.constant 0 : i32
      %dma_start3A_16 = tpu.memref_slice %arg6[%mul3A_2, %dma_start3A_15] : memref<1024x640xf32, #tpu.memory_space<hbm>> -> memref<32x640xf32, #tpu.memory_space<hbm>>
      %dma_start3A_17 = arith.constant 0 : i32
      %dma_start3A_18 = tpu.memref_slice %arg6[%mul3A_2, %dma_start3A_17] : memref<1024x640xf32, #tpu.memory_space<hbm>> -> memref<32x640xf32, #tpu.memory_space<hbm>>
      tpu.enqueue_dma source(%arg9 : memref<32x640xf32, #tpu.memory_space<vmem>>) target(%dma_start3A_18 : memref<32x640xf32, #tpu.memory_space<hbm>>) target_semaphore(%run_scoped3A : memref<!tpu.dma_semaphore, #tpu.memory_space<semaphore_mem>>)
      %dma_wait3A_19 = arith.constant 0 : i32
      %dma_wait3A_20 = tpu.memref_slice %arg6[%mul3A_2, %dma_wait3A_19] : memref<1024x640xf32, #tpu.memory_space<hbm>> -> memref<32x640xf32, #tpu.memory_space<hbm>>
      %dma_wait3A_21 = arith.constant 0 : i32
      %dma_wait3A_22 = tpu.memref_slice %arg6[%mul3A_2, %dma_wait3A_21] : memref<1024x640xf32, #tpu.memory_space<hbm>> -> memref<32x640xf32, #tpu.memory_space<hbm>>
      tpu.wait_dma2 semaphore(%run_scoped3A : memref<!tpu.dma_semaphore, #tpu.memory_space<semaphore_mem>>) src(%arg9 : memref<32x640xf32, #tpu.memory_space<vmem>>) dst(%dma_wait3A_22 : memref<32x640xf32, #tpu.memory_space<hbm>>)
      tpu.yield
    }) : () -> ()
    %mul3A_13 = arith.constant 64 : i32
    %mul3A_14 = arith.muli %add3A, %mul3A_13 : i32
    "tpu.region"() ({
      %run_scoped3A = tpu.sem_alloc : memref<!tpu.dma_semaphore, #tpu.memory_space<semaphore_mem>>
      %dma_start3A_15 = tpu.memref_slice %arg7[%mul3A_14] : memref<2048xf32, #tpu.memory_space<hbm>> -> memref<64xf32, #tpu.memory_space<hbm>>
      %dma_start3A_16 = tpu.memref_slice %arg7[%mul3A_14] : memref<2048xf32, #tpu.memory_space<hbm>> -> memref<64xf32, #tpu.memory_space<hbm>>
      tpu.enqueue_dma source(%arg11 : memref<64xf32, #tpu.memory_space<vmem>>) target(%dma_start3A_16 : memref<64xf32, #tpu.memory_space<hbm>>) target_semaphore(%run_scoped3A : memref<!tpu.dma_semaphore, #tpu.memory_space<semaphore_mem>>)
      %dma_wait3A_17 = tpu.memref_slice %arg7[%mul3A_14] : memref<2048xf32, #tpu.memory_space<hbm>> -> memref<64xf32, #tpu.memory_space<hbm>>
      %dma_wait3A_18 = tpu.memref_slice %arg7[%mul3A_14] : memref<2048xf32, #tpu.memory_space<hbm>> -> memref<64xf32, #tpu.memory_space<hbm>>
      tpu.wait_dma2 semaphore(%run_scoped3A : memref<!tpu.dma_semaphore, #tpu.memory_space<semaphore_mem>>) src(%arg11 : memref<64xf32, #tpu.memory_space<vmem>>) dst(%dma_wait3A_18 : memref<64xf32, #tpu.memory_space<hbm>>)
      tpu.yield
    }) : () -> ()
    return
  }
}

module attributes {stable_mosaic.version = 14 : i64} {
  func.func @_argmin_kernel(%arg0: i32, %arg1: memref<1024x1xf32, #tpu.memory_space<vmem>>, %arg2: memref<1024x1xf32, #tpu.memory_space<vmem>>, %arg3: memref<1024x1xf32, #tpu.memory_space<vmem>>, %arg4: memref<3x2048xf32, #tpu.memory_space<vmem>>, %arg5: memref<1024x1xi32, #tpu.memory_space<vmem>>, %arg6: memref<1024x1xf32, #tpu.memory_space<vmem>>, %arg7: memref<1024x1xi32, #tpu.memory_space<vmem>>) attributes {dimension_semantics = [#tpu.dimension_semantics<arbitrary>], iteration_bounds = array<i64: 49>, scalar_prefetch = 0 : i64, scratch_operands = 2 : i64, tpu.core_type = #tpu.core_type<tc>, window_params = [{pipeline_mode = #tpu.pipeline_mode<synchronous>, transform_indices = @transform_0, window_bounds = array<i64: 1024, 1>}, {pipeline_mode = #tpu.pipeline_mode<synchronous>, transform_indices = @transform_1, window_bounds = array<i64: 1024, 1>}, {pipeline_mode = #tpu.pipeline_mode<synchronous>, transform_indices = @transform_2, window_bounds = array<i64: 1024, 1>}, {transform_indices = @transform_3, window_bounds = array<i64: 3, 2048>}, {pipeline_mode = #tpu.pipeline_mode<synchronous>, transform_indices = @transform_4, window_bounds = array<i64: 1024, 1>}]} {
    %get3A = arith.constant 0 : index
    %get3A_0 = arith.constant 0 : index
    %get3A_1 = vector.load %arg4[%get3A, %get3A_0] : memref<3x2048xf32, #tpu.memory_space<vmem>>, vector<1x2048xf32>
    %convert_element_type3A = arith.truncf %get3A_1 : vector<1x2048xf32> to vector<1x2048xbf16>
    %convert_element_type3A_2 = arith.extf %convert_element_type3A : vector<1x2048xbf16> to vector<1x2048xf32>
    %get3A_3 = arith.constant 1 : index
    %get3A_4 = arith.constant 0 : index
    %get3A_5 = vector.load %arg4[%get3A_3, %get3A_4] : memref<3x2048xf32, #tpu.memory_space<vmem>>, vector<1x2048xf32>
    %convert_element_type3A_6 = arith.truncf %get3A_5 : vector<1x2048xf32> to vector<1x2048xbf16>
    %convert_element_type3A_7 = arith.extf %convert_element_type3A_6 : vector<1x2048xbf16> to vector<1x2048xf32>
    %get3A_8 = arith.constant 2 : index
    %get3A_9 = arith.constant 0 : index
    %get3A_10 = vector.load %arg4[%get3A_8, %get3A_9] : memref<3x2048xf32, #tpu.memory_space<vmem>>, vector<1x2048xf32>
    %get3A_11 = arith.constant 0 : index
    %get3A_12 = arith.constant 0 : index
    %get3A_13 = vector.load %arg1[%get3A_11, %get3A_12] : memref<1024x1xf32, #tpu.memory_space<vmem>>, vector<1024x1xf32>
    %convert_element_type3A_14 = arith.truncf %get3A_13 : vector<1024x1xf32> to vector<1024x1xbf16>
    %convert_element_type3A_15 = arith.extf %convert_element_type3A_14 : vector<1024x1xbf16> to vector<1024x1xf32>
    %get3A_16 = arith.constant 0 : index
    %get3A_17 = arith.constant 0 : index
    %get3A_18 = vector.load %arg2[%get3A_16, %get3A_17] : memref<1024x1xf32, #tpu.memory_space<vmem>>, vector<1024x1xf32>
    %convert_element_type3A_19 = arith.truncf %get3A_18 : vector<1024x1xf32> to vector<1024x1xbf16>
    %convert_element_type3A_20 = arith.extf %convert_element_type3A_19 : vector<1024x1xbf16> to vector<1024x1xf32>
    %get3A_21 = arith.constant 0 : index
    %get3A_22 = arith.constant 0 : index
    %get3A_23 = vector.load %arg3[%get3A_21, %get3A_22] : memref<1024x1xf32, #tpu.memory_space<vmem>>, vector<1024x1xf32>
    %mul3A = vector.broadcast %convert_element_type3A_15 : vector<1024x1xf32> to vector<1024x2048xf32>
    %mul3A_24 = vector.broadcast %convert_element_type3A_2 : vector<1x2048xf32> to vector<1024x2048xf32>
    %mul3A_25 = arith.mulf %mul3A, %mul3A_24 : vector<1024x2048xf32>
    %mul3A_26 = vector.broadcast %convert_element_type3A_20 : vector<1024x1xf32> to vector<1024x2048xf32>
    %mul3A_27 = vector.broadcast %convert_element_type3A_7 : vector<1x2048xf32> to vector<1024x2048xf32>
    %mul3A_28 = arith.mulf %mul3A_26, %mul3A_27 : vector<1024x2048xf32>
    %add3A = arith.addf %mul3A_25, %mul3A_28 : vector<1024x2048xf32>
    %add3A_29 = vector.broadcast %get3A_23 : vector<1024x1xf32> to vector<1024x2048xf32>
    %add3A_30 = vector.broadcast %get3A_10 : vector<1x2048xf32> to vector<1024x2048xf32>
    %add3A_31 = arith.addf %add3A_29, %add3A_30 : vector<1024x2048xf32>
    %mul3A_32 = arith.constant 2.000000e+00 : f32
    %mul3A_33 = vector.broadcast %mul3A_32 : f32 to vector<1024x2048xf32>
    %mul3A_34 = arith.mulf %mul3A_33, %add3A : vector<1024x2048xf32>
    %sub3A = arith.subf %add3A_31, %mul3A_34 : vector<1024x2048xf32>
    %max3A = arith.constant 0.000000e+00 : f32
    %max3A_35 = vector.broadcast %max3A : f32 to vector<1024x2048xf32>
    %max3A_36 = arith.maximumf %sub3A, %max3A_35 : vector<1024x2048xf32>
    %reduce_min3A = arith.constant dense<0x7F800000> : vector<1024xf32>
    %reduce_min3A_37 = vector.multi_reduction <minimumf>, %max3A_36, %reduce_min3A [1] : vector<1024x2048xf32> to vector<1024xf32>
    %broadcast_in_dim3A = vector.shape_cast %reduce_min3A_37 : vector<1024xf32> to vector<1024x1xf32>
    %iota3A = tpu.iota {dimensions = array<i32: 1>} : vector<1024x2048xi32>
    %mul3A_38 = arith.constant 2048 : i32
    %mul3A_39 = arith.muli %arg0, %mul3A_38 : i32
    %add3A_40 = vector.broadcast %mul3A_39 : i32 to vector<1024x2048xi32>
    %add3A_41 = arith.addi %iota3A, %add3A_40 : vector<1024x2048xi32>
    %eq3A = vector.broadcast %broadcast_in_dim3A : vector<1024x1xf32> to vector<1024x2048xf32>
    %eq3A_42 = arith.cmpf oeq, %max3A_36, %eq3A : vector<1024x2048xf32>
    %jit3A = arith.constant 1073741824 : i32
    %broadcast_in_dim3A_43 = vector.broadcast %jit3A : i32 to vector<1024x2048xi32>
    %select_n3A = arith.select %eq3A_42, %add3A_41, %broadcast_in_dim3A_43 : vector<1024x2048xi1>, vector<1024x2048xi32>
    %reduce_min3A_44 = arith.constant dense<2147483647> : vector<1024xi32>
    %reduce_min3A_45 = vector.multi_reduction <minsi>, %select_n3A, %reduce_min3A_44 [1] : vector<1024x2048xi32> to vector<1024xi32>
    %broadcast_in_dim3A_46 = vector.shape_cast %reduce_min3A_45 : vector<1024xi32> to vector<1024x1xi32>
    %eq3A_47 = arith.constant 0 : i32
    %eq3A_48 = arith.cmpi eq, %arg0, %eq3A_47 : i32
    %convert_element_type3A_49 = arith.extui %eq3A_48 : i1 to i32
    %cond3A = arith.constant 0 : i32
    %cond3A_50 = arith.cmpi ne, %convert_element_type3A_49, %cond3A : i32
    scf.if %cond3A_50 {
      %swap3A = arith.constant 0 : index
      %swap3A_60 = arith.constant 0 : index
      %swap3A_61 = vector.load %arg6[%swap3A, %swap3A_60] : memref<1024x1xf32, #tpu.memory_space<vmem>>, vector<1024x1xf32>
      tpu.vector_store %arg6[%swap3A, %swap3A_60], %broadcast_in_dim3A {strides = array<i32>} : memref<1024x1xf32, #tpu.memory_space<vmem>>, vector<1024x1xf32>,
      %swap3A_62 = arith.constant 0 : index
      %swap3A_63 = arith.constant 0 : index
      %swap3A_64 = vector.load %arg7[%swap3A_62, %swap3A_63] : memref<1024x1xi32, #tpu.memory_space<vmem>>, vector<1024x1xi32>
      tpu.vector_store %arg7[%swap3A_62, %swap3A_63], %broadcast_in_dim3A_46 {strides = array<i32>} : memref<1024x1xi32, #tpu.memory_space<vmem>>, vector<1024x1xi32>,
    } else {
    }
    %gt3A = arith.constant 0 : i32
    %gt3A_51 = arith.cmpi sgt, %arg0, %gt3A : i32
    %convert_element_type3A_52 = arith.extui %gt3A_51 : i1 to i32
    %cond3A_53 = arith.constant 0 : i32
    %cond3A_54 = arith.cmpi ne, %convert_element_type3A_52, %cond3A_53 : i32
    scf.if %cond3A_54 {
      %get3A_60 = arith.constant 0 : index
      %get3A_61 = arith.constant 0 : index
      %get3A_62 = vector.load %arg6[%get3A_60, %get3A_61] : memref<1024x1xf32, #tpu.memory_space<vmem>>, vector<1024x1xf32>
      %lt3A = arith.cmpf olt, %broadcast_in_dim3A, %get3A_62 : vector<1024x1xf32>
      %get3A_63 = arith.constant 0 : index
      %get3A_64 = arith.constant 0 : index
      %get3A_65 = vector.load %arg6[%get3A_63, %get3A_64] : memref<1024x1xf32, #tpu.memory_space<vmem>>, vector<1024x1xf32>
      %select_n3A_66 = arith.select %lt3A, %broadcast_in_dim3A, %get3A_65 : vector<1024x1xi1>, vector<1024x1xf32>
      %swap3A = arith.constant 0 : index
      %swap3A_67 = arith.constant 0 : index
      %swap3A_68 = vector.load %arg6[%swap3A, %swap3A_67] : memref<1024x1xf32, #tpu.memory_space<vmem>>, vector<1024x1xf32>
      tpu.vector_store %arg6[%swap3A, %swap3A_67], %select_n3A_66 {strides = array<i32>} : memref<1024x1xf32, #tpu.memory_space<vmem>>, vector<1024x1xf32>,
      %get3A_69 = arith.constant 0 : index
      %get3A_70 = arith.constant 0 : index
      %get3A_71 = vector.load %arg7[%get3A_69, %get3A_70] : memref<1024x1xi32, #tpu.memory_space<vmem>>, vector<1024x1xi32>
      %select_n3A_72 = arith.select %lt3A, %broadcast_in_dim3A_46, %get3A_71 : vector<1024x1xi1>, vector<1024x1xi32>
      %swap3A_73 = arith.constant 0 : index
      %swap3A_74 = arith.constant 0 : index
      %swap3A_75 = vector.load %arg7[%swap3A_73, %swap3A_74] : memref<1024x1xi32, #tpu.memory_space<vmem>>, vector<1024x1xi32>
      tpu.vector_store %arg7[%swap3A_73, %swap3A_74], %select_n3A_72 {strides = array<i32>} : memref<1024x1xi32, #tpu.memory_space<vmem>>, vector<1024x1xi32>,
    } else {
    }
    %eq3A_55 = arith.constant 48 : i32
    %eq3A_56 = arith.cmpi eq, %arg0, %eq3A_55 : i32
    %convert_element_type3A_57 = arith.extui %eq3A_56 : i1 to i32
    %cond3A_58 = arith.constant 0 : i32
    %cond3A_59 = arith.cmpi ne, %convert_element_type3A_57, %cond3A_58 : i32
    scf.if %cond3A_59 {
      %get3A_60 = arith.constant 0 : index
      %get3A_61 = arith.constant 0 : index
      %get3A_62 = vector.load %arg7[%get3A_60, %get3A_61] : memref<1024x1xi32, #tpu.memory_space<vmem>>, vector<1024x1xi32>
      %swap3A = arith.constant 0 : index
      %swap3A_63 = arith.constant 0 : index
      %swap3A_64 = vector.load %arg5[%swap3A, %swap3A_63] : memref<1024x1xi32, #tpu.memory_space<vmem>>, vector<1024x1xi32>
      tpu.vector_store %arg5[%swap3A, %swap3A_63], %get3A_62 {strides = array<i32>} : memref<1024x1xi32, #tpu.memory_space<vmem>>, vector<1024x1xi32>,
    } else {
    }
    return
  }
  func.func @transform_0(%arg0: i32) -> (i32, i32) {
    %c0_i32 = arith.constant 0 : i32
    %c0_i32_0 = arith.constant 0 : i32
    %c0_i32_1 = arith.constant 0 : i32
    return %c0_i32, %c0_i32_0 : i32, i32
  }
  func.func @transform_1(%arg0: i32) -> (i32, i32) {
    %c0_i32 = arith.constant 0 : i32
    %c0_i32_0 = arith.constant 0 : i32
    %c0_i32_1 = arith.constant 0 : i32
    return %c0_i32, %c0_i32_0 : i32, i32
  }
  func.func @transform_2(%arg0: i32) -> (i32, i32) {
    %c0_i32 = arith.constant 0 : i32
    %c0_i32_0 = arith.constant 0 : i32
    %c0_i32_1 = arith.constant 0 : i32
    return %c0_i32, %c0_i32_0 : i32, i32
  }
  func.func @transform_3(%arg0: i32) -> (i32, i32) {
    %c0_i32 = arith.constant 0 : i32
    %c0_i32_0 = arith.constant 0 : i32
    return %c0_i32, %arg0 : i32, i32
  }
  func.func @transform_4(%arg0: i32) -> (i32, i32) {
    %c0_i32 = arith.constant 0 : i32
    %c0_i32_0 = arith.constant 0 : i32
    %c0_i32_1 = arith.constant 0 : i32
    return %c0_i32, %c0_i32_0 : i32, i32
  }
}

module attributes {stable_mosaic.version = 14 : i64} {
  func.func @_norm_kernel(%arg0: i32, %arg1: memref<1024x640xf32, #tpu.memory_space<vmem>>, %arg2: memref<1024x625xf32, #tpu.memory_space<vmem>>) attributes {dimension_semantics = [#tpu.dimension_semantics<arbitrary>], iteration_bounds = array<i64: 1>, scalar_prefetch = 0 : i64, scratch_operands = 0 : i64, tpu.core_type = #tpu.core_type<tc>, window_params = [{pipeline_mode = #tpu.pipeline_mode<synchronous>, transform_indices = @transform_0, window_bounds = array<i64: 1024, 640>}, {pipeline_mode = #tpu.pipeline_mode<synchronous>, transform_indices = @transform_1, window_bounds = array<i64: 1024, 625>}]} {
    %get3A = arith.constant 0 : index
    %get3A_0 = arith.constant 0 : index
    %get3A_1 = vector.load %arg1[%get3A, %get3A_0] : memref<1024x640xf32, #tpu.memory_space<vmem>>, vector<1024x640xf32>
    %reduce_sum3A = arith.constant dense<0.000000e+00> : vector<1024xf32>
    %reduce_sum3A_2 = vector.multi_reduction <add>, %get3A_1, %reduce_sum3A [1] : vector<1024x640xf32> to vector<1024xf32>
    %broadcast_in_dim3A = vector.shape_cast %reduce_sum3A_2 : vector<1024xf32> to vector<1024x1xf32>
    %slice3A = vector.extract_strided_slice %get3A_1 {offsets = [0, 0], sizes = [1024, 625], strides = [1, 1]} : vector<1024x640xf32> to vector<1024x625xf32>
    %add3A = arith.constant 9.99999997E-7 : f32
    %add3A_3 = vector.broadcast %add3A : f32 to vector<1024x1xf32>
    %add3A_4 = arith.addf %broadcast_in_dim3A, %add3A_3 : vector<1024x1xf32>
    %div3A = vector.broadcast %add3A_4 : vector<1024x1xf32> to vector<1024x625xf32>
    %div3A_5 = arith.divf %slice3A, %div3A : vector<1024x625xf32>
    %swap3A = arith.constant 0 : index
    %swap3A_6 = arith.constant 0 : index
    %swap3A_7 = vector.load %arg2[%swap3A, %swap3A_6] : memref<1024x625xf32, #tpu.memory_space<vmem>>, vector<1024x625xf32>
    tpu.vector_store %arg2[%swap3A, %swap3A_6], %div3A_5 {strides = array<i32>} : memref<1024x625xf32, #tpu.memory_space<vmem>>, vector<1024x625xf32>,
    return
  }
  func.func @transform_0(%arg0: i32) -> (i32, i32) {
    %c0_i32 = arith.constant 0 : i32
    %c0_i32_0 = arith.constant 0 : i32
    %c0_i32_1 = arith.constant 0 : i32
    return %c0_i32, %c0_i32_0 : i32, i32
  }
  func.func @transform_1(%arg0: i32) -> (i32, i32) {
    %c0_i32 = arith.constant 0 : i32
    %c0_i32_0 = arith.constant 0 : i32
    %c0_i32_1 = arith.constant 0 : i32
    return %c0_i32, %c0_i32_0 : i32, i32
  }
}

</mosaic_0001>

<sc_bundles>
// kernel: kernel.5.cloned.1.call-start
scs
__scs_entry_jumppad:
0x0: {  	(pc) =	sbr.rel $0x88, $3  }
0x1: {  	(tag) =	ssettag $0x0;
	lr =	simm.s32 $0x1  }
0x2: {  	[smem:$0x3F9E] =	sst lr;
	_ =	strace $0xD0000000  }
0x3: {  	_ = 	snop  }
0x4: {  	_ = 	snop  }
0x5: {  	_ = 	snop  }
0x6: {  	_ = 	snop  }
0x7: {  	_ = 	snop  }
__scs_overlays_trampoline_lowered:
0x8: {  	[smem:$0x3FAD] =	sst s0  }
0x9: {  	[smem:$0x3FAE] =	sst s1  }
0xa: {  	[smem:$0x3FAF] =	sst s2  }
0xb: {  	[smem:$0x3FB0] =	sst s3  }
0xc: {  	[smem:$0x3FB1] =	sst s4  }
0xd: {  	[smem:$0x3FB2] =	sst s5  }
0xe: {  	[smem:$0x3FB3] =	sst s6  }
0xf: {  	[smem:$0x3FB4] =	sst s7  }
0x10: {  	[smem:$0x3FB5] =	sst s8  }
0x11: {  	[smem:$0x3FB6] =	sst s9;
	s0 =	simm.s32 @!p0 $0x0  }
0x12: {  	s1 =	sld [smem:$0x3F9C];
	s0 =	simm.s32 @p0 $0x1  }
0x13: {  	[smem:$0x3FB7] =	sst s0;
	s0 =	simm.s32 @!p1 $0x0  }
0x14: {  	s2 =	sld [smem:$0x3F9B];
	s0 =	simm.s32 @p1 $0x1  }
0x15: {  	[smem:$0x3FB8] =	sst s0;
	s0 =	simm.s32 @!p2 $0x0  }
0x16: {  	s3 =	sld [smem:$0x3FDB];
	s0 =	simm.s32 @p2 $0x1  }
0x17: {  	s4 =	simm.s32 $0x1BF5;
	[smem:$0x3FBA] =	sst s0  }
0x18: {  	s0 =	sld [smem:$0x3F9D];
	_ =	swait.ge [sflag:s4], $0x0  }
0x19: {  	s7 =	sld [smem:$0x3F9E]  }
0x1a: {  	s8 =	sadd.s32 $0xFFFFE003, lr  }
0x1b: {  	s9 =	sadd.s32 $0xFFFFFEF7, lr;
	s5 =	simm.s32 $0xFFFFFFFF;
	p2 =	slt.u32 s8, $0xFFFFF086  }
0x1c: {  	p1 =	slt.u32 s9, $0xF7A;
	s5 =	simm.s32 @!p2 $0x0  }
0x1d: {  	s5 =	simm.s32 @p1 $0x1;
	p0 =	seq.s32 s7, s2  }
0x1e: {  	s7 =	smul.u32 @!p0 $0xF7A, s2;
	p2 =	seq.s32 @!p0 s5, $0x0  }
0x1f: {  	s9 =	smul.u32 $0xF7A, s1;
	s8 =	simm.s32 @!p0 $0x1BF5;
	p2 =	por !p2, p0  }
0x20: {  	[sflag:s8] =	ssyncset.s32 @!p0 $0xFFFFF086;
	s6 =	sadd.s32 @!p0 s3, s7;
	s7 =	simm.s32 @!p0 $0x108  }
0x21: {  	s3 =	sadd.s32 s3, s9;
	s6 =	sadd.s32 @!p0 $0x88, s6;
	s7 =	simm.s32 @p2 $0x1082  }
0x22: {  	[simem:s7], [sflag:s8] =	dma.local @!p0 [hbm:s6], $0xF7A  }
0x23: {  	s9 =	sor.u32 $0xD0000000, s2;
	s6 =	simm.s32 $0x108;
	_ =	swait.ge @!p0 [sflag:s8], $0x0  }
0x24: {  	s3 =	sadd.s32 $0x88, s3;
	s6 =	simm.s32 @!p1 $0x1082;
	[sflag:s4] =	ssyncset.s32 $0xFFFFF086  }
0x25: {  	[simem:s6], [sflag:s4] =	dma.local [hbm:s3], $0xF7A  }
0x26: {  	[smem:$0x3F9E] =	sst s1;
	(tag) =	ssettag s2;
	_ =	strace s9  }
0x27: {  	s1 =	sld [smem:$0x3FAE]  }
0x28: {  	s2 =	sld [smem:$0x3FAF]  }
0x29: {  	s4 =	sld [smem:$0x3FB1]  }
0x2a: {  	p0 =	seq.s32 s5, $0x0;
	s5 =	sld [smem:$0x3FB2]  }
0x2b: {  	s6 =	sld [smem:$0x3FB3]  }
0x2c: {  	s7 =	sld [smem:$0x3FB4]  }
0x2d: {  	s3 =	simm.s32 $0x108;
	s8 =	sld [smem:$0x3FB5]  }
0x2e: {  	s3 =	simm.s32 @!p0 $0x1082;
	s9 =	sld [smem:$0x3FB6]  }
0x2f: {  	lr =	sadd.s32 s0, s3;
	s0 =	sld [smem:$0x3FAD]  }
0x30: {  	s3 =	sld [smem:$0x3FB0]  }
0x31: {  	[smem:$0x3FB9] =	sst s10  }
0x32: {  	s10 =	sld [smem:$0x3FB7];
	_ =	sdelay $0x3  }
0x33: {  	p0 =	seq.s32 s10, $0x1;
	s10 =	sld [smem:$0x3FB9];
	_ =	sdelay $0x3  }
0x34: {  	[smem:$0x3FB9] =	sst s10  }
0x35: {  	s10 =	sld [smem:$0x3FB8];
	_ =	sdelay $0x3  }
0x36: {  	p1 =	seq.s32 s10, $0x1;
	s10 =	sld [smem:$0x3FB9];
	_ =	sdelay $0x3  }
0x37: {  	[smem:$0x3FB9] =	sst s10  }
0x38: {  	s10 =	sld [smem:$0x3FBA]  }
0x39: {  	_ = 	snop;
	(pc) =	sbr.ind lr, $3  }
0x3a: {  	_ = 	snop  }
0x3b: {  	_ = 	snop  }
0x3c: {  	p2 =	seq.s32 s10, $0x1;
	s10 =	sld [smem:$0x3FB9]  }
0x3d: {  	_ =	shalt  }
0x3e: {  	_ =	shalt  }
0x3f: {  	_ =	shalt  }
0x40: {  	_ =	shalt  }
0x41: {  	_ =	shalt  }
0x42: {  	_ =	shalt  }
0x43: {  	_ =	shalt  }
0x44: {  	_ =	shalt  }
0x45: {  	_ =	shalt  }
0x46: {  	_ =	shalt  }
0x47: {  	_ =	shalt  }
0x48: {  	_ =	shalt  }
0x49: {  	_ =	shalt  }
0x4a: {  	_ =	shalt  }
0x4b: {  	_ =	shalt  }
0x4c: {  	_ =	shalt  }
0x4d: {  	_ =	shalt  }
0x4e: {  	_ =	shalt  }
0x4f: {  	_ =	shalt  }
0x50: {  	_ =	shalt  }
0x51: {  	_ =	shalt  }
0x52: {  	_ =	shalt  }
0x53: {  	_ =	shalt  }
0x54: {  	_ =	shalt  }
0x55: {  	_ =	shalt  }
0x56: {  	_ =	shalt  }
0x57: {  	_ =	shalt  }
0x58: {  	_ =	shalt  }
0x59: {  	_ =	shalt  }
0x5a: {  	_ =	shalt  }
0x5b: {  	_ =	shalt  }
0x5c: {  	_ =	shalt  }
0x5d: {  	_ =	shalt  }
0x5e: {  	_ =	shalt  }
0x5f: {  	_ =	shalt  }
0x60: {  	_ =	shalt  }
0x61: {  	_ =	shalt  }
0x62: {  	_ =	shalt  }
0x63: {  	_ =	shalt  }
0x64: {  	_ =	shalt  }
0x65: {  	_ =	shalt  }
0x66: {  	_ =	shalt  }
0x67: {  	_ =	shalt  }
0x68: {  	_ =	shalt  }
0x69: {  	_ =	shalt  }
0x6a: {  	_ =	shalt  }
0x6b: {  	_ =	shalt  }
0x6c: {  	_ =	shalt  }
0x6d: {  	_ =	shalt  }
0x6e: {  	_ =	shalt  }
0x6f: {  	_ =	shalt  }
0x70: {  	_ =	shalt  }
0x71: {  	_ =	shalt  }
0x72: {  	_ =	shalt  }
0x73: {  	_ =	shalt  }
0x74: {  	_ =	shalt  }
0x75: {  	_ =	shalt  }
0x76: {  	_ =	shalt  }
0x77: {  	_ =	shalt  }
0x78: {  	_ =	shalt  }
0x79: {  	_ =	shalt  }
0x7a: {  	_ =	shalt  }
0x7b: {  	_ =	shalt  }
0x7c: {  	_ =	shalt  }
0x7d: {  	_ =	shalt  }
0x7e: {  	_ =	shalt  }
0x7f: {  	_ =	shalt  }
0x80: {  	_ =	shalt  }
0x81: {  	_ =	shalt  }
0x82: {  	_ =	shalt  }
0x83: {  	_ =	shalt  }
0x84: {  	_ =	shalt  }
0x85: {  	_ =	shalt  }
0x86: {  	_ =	shalt  }
0x87: {  	_ =	shalt  }
.Lfunc_end0:
.L_simem_size_0:
called_computation.1_lowered:
.L_overlay_start_0:
0x88: {  	s2 =	sld [smem:$0x3FD9]  }
0x89: {  	s3 =	sld [smem:$0x3FFE];
	_ =	sdelay $0x1  }
0x8a: {  	s1 =	srdreg.scid  }
0x8b: {  	s0 =	sand.u32 $0x1, s1  }
0x8c: {  	s14 =	sshll.u32 s0, $0xA;
	s2 =	sadd.s32 s3, s2  }
0x8d: {  	s2 =	sadd.s32 s2, s14  }
0x8e: {  	[smem:$0x3FC5] =	sst s2  }
0x8f: {  	_ = 	snop  }
0x90: {  	s2 =	sld [smem:$0x3FD0];
	_ =	sdelay $0x2  }
0x91: {  	s15 =	simm.s32 $0xA;
	s4 =	simm.s32 $0x10  }
0x92: {  	[smem:s4], [sflag:s15] =	dma.local [hbm:s2], $0x1  }
0x93: {  	_ =	swait.eq [sflag:s15], $0x1  }
0x94: {  	[sflag:s15] =	ssyncset.done $0x0  }
0x95: {  	s16 =	sld [smem:$0x10];
	[sflag:s15] =	ssyncadd.s32 $0xFFFFFFFF  }
0x96: {  	s17 =	sld [smem:$0x12];
	(tm) =	ssettm $0x1  }
0x97: {  	s18 =	sld [smem:$0x3FFB];
	_ =	sdelay $0x3  }
0x98: {  	_ =	strace s18  }
0x99: {  	s4 =	sld [smem:$0x3FFC];
	_ =	sdelay $0x3  }
0x9a: {  	_ =	strace s4  }
0x9b: {  	s4 =	sld [smem:$0x3FFD];
	_ =	sdelay $0x3  }
0x9c: {  	_ =	strace s4  }
0x9d: {  	_ =	strace $0x8FFFFFFF  }
0x9e: {  	s19 =	sld [smem:$0x3FDB];
	_ =	sdelay $0x1  }
0x9f: {  	s5 =	simm.s32 $_scs_section_size  }
0xa0: {  	s6 =	simm.s32 $_size__tile_overlayer_lowered;
	s7 =	simm.s32 $_tile_overlayer_lowered  }
0xa1: {  	s22 =	simm.s32 $0x1BFF;
	s21 =	sshll.u32 s7, $0x1;
	s4 =	sadd.s32 s5, s19  }
0xa2: {  	s8 =	simm.s32 $0x0;
	s20 =	sshll.u32 s6, $0x1;
	s6 =	sadd.s32 s21, s4  }
0xa3: {  	[timem:s8], [sflag:s22] =	dma.local [hbm:s6], s20  }
0xa4: {  	_ =	swait.ge [sflag:s22], s20  }
0xa5: {  	s5 =	ssub.s32 $0x0, s20;
	[sflag:s22] =	ssyncset.done $0x0  }
0xa6: {  	[sflag:s22] =	ssyncadd.s32 s5;
	_ =	sdelay $0x1  }
0xa7: {  	s23 =	simm.s32 $0x1B8B  }
0xa8: {  	_ =	swait.ge [sflag:s23], $0x1  }
0xa9: {  	[sflag:s23] =	ssyncset.done $0x0  }
0xaa: {  	s25 =	simm.s32 $0x1B8E;
	s24 =	sld [smem:$0x3FFE];
	[sflag:s23] =	ssyncadd.s32 $0xFFFFFFFF  }
0xab: {  	s26 =	simm.s32 $execute0_lowered;
	[smem:$0x3FD2] =	sst s25  }
0xac: {  	s6 =	sshll.u32 s26, $0x1;
	_ =	strace $0x80000049;
	[dreg:$0x1] =	wrdreg $0xFFFFFFFF  }
0xad: {  	s28 =	simm.s32 $_size_execute0_lowered;
	s4 =	sadd.s32 s4, s6;
	[dreg:$0x0] =	wrdreg $0x0  }
0xae: {  	s6 =	sshll.u32 s28, $0x1;
	[dreg:$0x2] =	wrdreg s4  }
0xaf: {  	[dreg:$0x3] =	wrdreg s6  }
0xb0: {  	[dreg:$0x4] =	wrdreg $0xC0  }
0xb1: {  	_ =	task [dreg:s8], $0x5FFFF  }
0xb2: {  	[dreg:$0x1] =	wrdreg $0xFFFFFFFF  }
0xb3: {  	[dreg:$0x0] =	wrdreg $0x60  }
0xb4: {  	[dreg:$0x2] =	wrdreg s24  }
0xb5: {  	[dreg:$0x3] =	wrdreg s17  }
0xb6: {  	[dreg:$0x4] =	wrdreg s16  }
0xb7: {  	[dreg:$0x5] =	wrdreg $0x9  }
0xb8: {  	_ =	task.clear_ibuf [dreg:s8], $0x6FFFF;
	_ =	strace $0x90000049  }
0xb9: {  	s29 =	simm.s32 $0x9;
	_ =	strace $0x8000004B  }
0xba: {  	_ =	swait.ge [sflag:s29], $0x1  }
0xbb: {  	[sflag:s29] =	ssyncadd.s32 $0xFFFFFFFF  }
0xbc: {  	_ =	strace $0x9000004B  }
0xbd: {  	_ =	sfence  }
0xbe: {  	s30 =	sld [smem:$0x0];
	_ =	sdelay $0x2  }
0xbf: {  	s31 =	sshll.u32 s1, $0xD;
	s1 =	sshrl.u32 s1, $0x2  }
0xc0: {  	s3 =	sand.u32 $0x4000, s31;
	s1 =	sadd.s32 s1, s30  }
0xc1: {  	s0 =	sor.u32 s3, s0;
	s1 =	sshll.u32 s1, $0x11  }
0xc2: {  	s0 =	sor.u32 s1, s0  }
0xc3: {  	s0 =	sadd.s32 $0x8F2B, s0  }
0xc4: {  	[sflag:s0] =	ssyncadd.remote.s32 $0x1  }
0xc5: {  	_ =	sfence.sel $0xFFFF  }
0xc6: {  	[dreg:$0x0] =	wrdreg $0xFFFFFFFF;
	(pc) =	sbr.abs _section_cstart, $3  }
0xc7: {  	[dreg:$0x1] =	wrdreg $0xFFFFFFFF  }
0xc8: {  	_ =	task.clear_ibuf [dreg:s8], $0x2FFFF;
	_ =	strace $0x9FFFFFFF  }
0xc9: {  	(tm) =	ssettm $0x7FFFFFFF  }
tec
execute0_lowered:
.L_overlay_start_1:
0x0: {  	(tag) =	ssettag $0x1  }
0x1: {  	s9 =	rddreg [dreg:$0x0]  }
0x2: {  	s2 =	rddreg [dreg:$0x1];
	s1 =	srdreg.scid  }
0x3: {  	s0 =	stileid.u32;
	s6 =	rddreg [dreg:$0x2];
	s3 =	simm.s32 $0x0  }
0x4: {  	s13 =	simm.s32 $0x5080;
	s14 =	simm.s32 $0x80;
	s15 =	simm.s32 $0x880  }
0x5: {  	s16 =	simm.s32 $0x1080;
	s17 =	simm.s32 $0x1480;
	s18 =	simm.s32 $0x1C80  }
0x6: {  	s19 =	simm.s32 $0x2480;
	s20 =	simm.s32 $0x2880;
	s21 =	simm.s32 $0x3080  }
0x7: {  	s22 =	simm.s32 $0x3880;
	s23 =	simm.s32 $0x3C80;
	s24 =	simm.s32 $0x4480  }
0x8: {  	s25 =	simm.s32 $0x4C80;
	s26 =	simm.s32 $0x40;
	s28 =	simm.s32 $0x5100  }
0x9: {  	s29 =	simm.s32 $0x1;
	s5 =	sand.u32 $0x1, s1;
	s1 =	rddreg [dreg:$0x3]  }
0xa: {  	s30 =	simm.s32 $0x2;
	s4 =	sshll.u32 s0, $0x1;
	[smem:$0x7FF] =	sst s3  }
0xb: {  	s7 =	sor.u32 s5, s4;
	_ =	strace $0x8000004A;
	s5 =	ssub.s32 $0x2, s5  }
0xc: {  	s8 =	smul.u32 $0xA00, s7;
	s31 =	sshrl.u32 s5, $0x1;
	s11 =	sshll.u32 s7, $0x3  }
0xd: {  	s7 =	sshll.u32 s7, $0x2;
	s12 =	ssub.s32 s5, s31;
	s5 =	sadd.s32 s9, s11  }
0xe: {  	v2 =	vlaneseq.u32;
	s4 =	sadd.s32 $0x7A1400, s9;
	s6 =	sadd.s32 s6, s7;
	s7 =	sadd.s32 $0x7A1200, s5  }
0xf: {  	vm0 =	vmmov $0xffff;
	vm1 =	vmmov $0xff;
	v1 =	vshrl.u32 v2, $0x3;
	s10 =	sadd.s32 s8, s9;
	s8 =	sadd.s32 $0x7A1500, s9;
	s9 =	sadd.s32 $0x7A1600, s9  }
0x10: {  	v0 =	vand.u32 $0x7, v2;
	v2 =	vor.u32 $0x8, v2;
	v1 =	vmul.u32 $0x8, v1;
	s11 =	smax.u32 s12, $0x1;
	s12 =	simm.s32 $0x3;
	s10 =	sadd.s32 $0x200, s10  }
.LBB2_1:
0x11: {  	[tilespmem:s3], [sflag:$0x3] =	stream.linear.gather [hbm4b:s6+s3], $0x20, $0x38;
	[tilespmem:$0x5180] =	vst v63  }
0x12: {  	_ =	swait.ge [sflag:s12], $0x20  }
0x13: {  	[sflag:s12] =	ssyncset.done $0x0  }
0x14: {  	[sflag:s12] =	ssyncadd.s32 $0xFFFFFFE0  }
0x15: {  	[tilespmem:s13], [sflag:$0x3] =	stream.linear.gather [hbm4b:s7+s3], $0x40, $0x38;
	[tilespmem:$0x5180] =	vst v63  }
0x16: {  	_ =	swait.ge [sflag:s12], $0x40  }
0x17: {  	[sflag:s12] =	ssyncset.done $0x0  }
0x18: {  	[sflag:s12] =	ssyncadd.s32 $0xFFFFFFC0  }
0x19: {  	v3 =	vld [tilespmem:$0x0];
	_ =	sdelay $0x4  }
0x1a: {  	v4 =	vshrl.u32 v3, $0x3  }
0x1b: {  	v4 =	vmul.u32 $0x28, v4  }
0x1c: {  	v3 =	vand.u32 $0x7, v3  }
0x1d: {  	v3 =	vor.u32 v3, v4  }
0x1e: {  	v4 =	vperm.xlane v3, v0;
	_ =	sdelay $0x1  }
0x1f: {  	v4 =	vadd.s32 v1, v4;
	_ =	sdelay $0x3  }
0x20: {  	v3 =	vperm.xlane v3, v2  }
0x21: {  	[tilespmem:s14], [sflag:$0x1] =	stream.indirect_vreg.gather [hbm4b:s4+s3], $0x80, v4, vm0, $0xb8;
	[tilespmem:$0x5180] =	vst v63  }
0x22: {  	v3 =	vadd.s32 v1, v3  }
0x23: {  	[tilespmem:s15], [sflag:$0x1] =	stream.indirect_vreg.gather [hbm4b:s8+s3], $0x80, v4, vm0, $0xb8;
	[tilespmem:$0x5180] =	vst v63  }
0x24: {  	_ = 	snop  }
0x25: {  	[tilespmem:s16], [sflag:$0x1] =	stream.indirect_vreg.gather [hbm4b:s9+s3], $0x80, v4, vm1, $0xb8;
	[tilespmem:$0x5180] =	vst v63  }
0x26: {  	_ = 	snop  }
0x27: {  	[tilespmem:s17], [sflag:$0x1] =	stream.indirect_vreg.gather [hbm4b:s4+s3], $0x80, v3, vm0, $0xb8;
	[tilespmem:$0x5180] =	vst v63  }
0x28: {  	_ = 	snop  }
0x29: {  	[tilespmem:s18], [sflag:$0x1] =	stream.indirect_vreg.gather [hbm4b:s8+s3], $0x80, v3, vm0, $0xb8;
	[tilespmem:$0x5180] =	vst v63  }
0x2a: {  	_ = 	snop  }
0x2b: {  	[tilespmem:s19], [sflag:$0x1] =	stream.indirect_vreg.gather [hbm4b:s9+s3], $0x80, v3, vm1, $0xb8;
	[tilespmem:$0x5180] =	vst v63  }
0x2c: {  	v3 =	vld [tilespmem:$0x10];
	_ =	sdelay $0x4  }
0x2d: {  	v63 =	vshrl.u32 v3, $0x3  }
0x2e: {  	v4 =	vmul.u32 $0x28, v63  }
0x2f: {  	v3 =	vand.u32 $0x7, v3  }
0x30: {  	v3 =	vor.u32 v3, v4  }
0x31: {  	v4 =	vperm.xlane v3, v0;
	_ =	sdelay $0x1  }
0x32: {  	v4 =	vadd.s32 v1, v4;
	_ =	sdelay $0x3  }
0x33: {  	v3 =	vperm.xlane v3, v2  }
0x34: {  	[tilespmem:s20], [sflag:$0x1] =	stream.indirect_vreg.gather [hbm4b:s4+s3], $0x80, v4, vm0, $0xb8;
	[tilespmem:$0x5180] =	vst v63  }
0x35: {  	v3 =	vadd.s32 v1, v3  }
0x36: {  	[tilespmem:s21], [sflag:$0x1] =	stream.indirect_vreg.gather [hbm4b:s8+s3], $0x80, v4, vm0, $0xb8;
	[tilespmem:$0x5180] =	vst v63  }
0x37: {  	_ = 	snop  }
0x38: {  	[tilespmem:s22], [sflag:$0x1] =	stream.indirect_vreg.gather [hbm4b:s9+s3], $0x80, v4, vm1, $0xb8;
	[tilespmem:$0x5180] =	vst v63  }
0x39: {  	_ = 	snop  }
0x3a: {  	[tilespmem:s23], [sflag:$0x1] =	stream.indirect_vreg.gather [hbm4b:s4+s3], $0x80, v3, vm0, $0xb8;
	[tilespmem:$0x5180] =	vst v63  }
0x3b: {  	_ = 	snop  }
0x3c: {  	[tilespmem:s24], [sflag:$0x1] =	stream.indirect_vreg.gather [hbm4b:s8+s3], $0x80, v3, vm0, $0xb8;
	[tilespmem:$0x5180] =	vst v63  }
0x3d: {  	_ = 	snop  }
0x3e: {  	[tilespmem:s25], [sflag:$0x1] =	stream.indirect_vreg.gather [hbm4b:s9+s3], $0x80, v3, vm1, $0xb8;
	[tilespmem:$0x5180] =	vst v63  }
0x3f: {  	_ = 	snop  }
0x40: {  	[tilespmem:s28], [sflag:$0x2] =	stream.indirect.gather [hbm4b:s2+s26], $0x1, s13, s26, $0xb8;
	[tilespmem:$0x5180] =	vst v63  }
0x41: {  	_ =	swait.ge [sflag:s29], $0x5000  }
0x42: {  	[sflag:s29] =	ssyncset.done $0x0  }
0x43: {  	[sflag:s29] =	ssyncadd.s32 $0xFFFFB000  }
0x44: {  	_ =	swait.ge [sflag:s30], $0x40  }
0x45: {  	[sflag:s30] =	ssyncset.done $0x0  }
0x46: {  	[sflag:s30] =	ssyncadd.s32 $0xFFFFFFC0  }
0x47: {  	[hbm4b:s10+s3] =	stream.linear.scatter [tilespmem:s14], [sflag:$0x3], $0x5000, $0x38;
	[tilespmem:$0x5180] =	vst v63  }
0x48: {  	_ =	swait.ge [sflag:s12], $0x5000  }
0x49: {  	p0 =	sne.s32 s11, $0x1;
	[sflag:s12] =	ssyncset.done $0x0  }
.Ltmp0:
0x4a: {  	[sflag:s12] =	ssyncadd.s32 $0xFFFFB000;
	(pc) =	sbr.rel @p0 .LBB2_1-.Ltmp0, $4  }
0x4b: {  	[hbm4b:s5+s3] =	stream.linear.scatter [tilespmem:s28], [sflag:$0x3], $0x40, $0x38;
	[tilespmem:$0x5180] =	vst v63  }
0x4c: {  	_ =	swait.ge [sflag:s12], $0x40  }
0x4d: {  	[sflag:s12] =	ssyncset.done $0x0  }
0x4e: {  	s11 =	sadd.s32 $0xFFFFFFFF, s11;
	[sflag:s12] =	ssyncadd.s32 $0xFFFFFFC0  }
0x4f: {  	_ =	sfence.sel $0x180000  }
0x50: {  	[bflag:$0x0] =	sbarrier.arrive $0xFFFF  }
0x51: {  	p0 =	sne.s32 s0, $0x0;
	_ =	strace $0x9000004A  }
0x52: {  	s0 =	sadd.s32 @!p0 $0x100000, s1;
	[bflag:$0x2] =	sbarrier.arrive $0xFFFF  }
0x53: {  	[sflag:s0] =	ssyncadd.tile.s32 @!p0 $0x1;
	_ =	shalt  }
.Lfunc_end2:
_tile_overlayer_lowered:
.L_overlay_start_2:
0x54: {  	(tag) =	ssettag $0x2  }
0x55: {  	s0 =	rddreg [dreg:$0x0];
	s2 =	stileid.u32  }
0x56: {  	s1 =	rddreg [dreg:$0x1];
	p0 =	sne.s32 s2, $0x0  }
0x57: {  	s3 =	rddreg [dreg:$0x2];
	[bflag:$0x3] =	sbarrier.arrive $0xFFFF;
	s2 =	simm.s32 @!p0 $0x1C03  }
0x58: {  	[timem:s3], [sflag:s2] =	dma.local @!p0 [hbm:s0], s1  }
0x59: {  	s0 =	simm.s32 @!p0 $0x3  }
0x5a: {  	_ =	swait.ge @!p0 [sflag:s0], s1  }
0x5b: {  	s1 =	ssub.s32 @!p0 $0x0, s1;
	[sflag:s0] =	ssyncset.done @!p0 $0x0  }
0x5c: {  	[sflag:s0] =	ssyncadd.s32 @!p0 s1  }
0x5d: {  	[bflag:$0x3] =	sbarrier.arrive $0xFFFF  }
0x5e: {  	_ =	shalt  }

// kernel: sparse-core-data-format-call.cloned.1.call-start
scs
called_computation_lowered:
.L_overlay_start_0:
0x0: {  	s1 =	sld [smem:$0x3FD9]  }
0x1: {  	s2 =	sld [smem:$0x3FFE];
	_ =	sdelay $0x1  }
0x2: {  	s3 =	srdreg.scid  }
0x3: {  	s0 =	sand.u32 $0x1, s3  }
0x4: {  	s17 =	sshll.u32 s0, $0xA;
	s1 =	sadd.s32 s2, s1  }
0x5: {  	s1 =	sadd.s32 s1, s17  }
0x6: {  	[smem:$0x3FC5] =	sst s1  }
0x7: {  	_ = 	snop  }
0x8: {  	(tm) =	ssettm $0x1  }
0x9: {  	s18 =	sld [smem:$0x3FFB];
	_ =	sdelay $0x3  }
0xa: {  	_ =	strace s18  }
0xb: {  	s1 =	sld [smem:$0x3FFC];
	_ =	sdelay $0x3  }
0xc: {  	_ =	strace s1  }
0xd: {  	s1 =	sld [smem:$0x3FFD];
	_ =	sdelay $0x3  }
0xe: {  	_ =	strace s1  }
0xf: {  	_ =	strace $0x8FFFFFFF  }
0x10: {  	s19 =	sld [smem:$0x3FDB];
	_ =	sdelay $0x1  }
0x11: {  	s20 =	simm.s32 $_scs_section_size  }
0x12: {  	s4 =	simm.s32 $_size__tile_overlayer_lowered;
	s5 =	simm.s32 $_tile_overlayer_lowered  }
0x13: {  	s23 =	simm.s32 $0x1BFF;
	s22 =	sshll.u32 s5, $0x1;
	s1 =	sadd.s32 s20, s19  }
0x14: {  	s6 =	simm.s32 $0x0;
	s21 =	sshll.u32 s4, $0x1;
	s4 =	sadd.s32 s22, s1  }
0x15: {  	[timem:s6], [sflag:s23] =	dma.local [hbm:s4], s21  }
0x16: {  	_ =	swait.ge [sflag:s23], s21  }
0x17: {  	s2 =	ssub.s32 $0x0, s21;
	[sflag:s23] =	ssyncset.done $0x0  }
0x18: {  	[sflag:s23] =	ssyncadd.s32 s2;
	_ =	sdelay $0x1  }
0x19: {  	s24 =	simm.s32 $0x1B8B  }
0x1a: {  	_ =	swait.ge [sflag:s24], $0x1  }
0x1b: {  	[sflag:s24] =	ssyncset.done $0x0  }
0x1c: {  	s26 =	simm.s32 $0x1B8E;
	s25 =	sld [smem:$0x3FFE];
	[sflag:s24] =	ssyncadd.s32 $0xFFFFFFFF  }
0x1d: {  	s27 =	simm.s32 $execute0_lowered;
	[smem:$0x3FD2] =	sst s26  }
0x1e: {  	s4 =	sshll.u32 s27, $0x1;
	_ =	strace $0x80000046;
	[dreg:$0x1] =	wrdreg $0xFFFFFFFF  }
0x1f: {  	s28 =	simm.s32 $_size_execute0_lowered;
	s1 =	sadd.s32 s1, s4;
	[dreg:$0x0] =	wrdreg $0x0  }
0x20: {  	s4 =	sshll.u32 s28, $0x1;
	[dreg:$0x2] =	wrdreg s1  }
0x21: {  	[dreg:$0x3] =	wrdreg s4  }
0x22: {  	[dreg:$0x4] =	wrdreg $0xC0  }
0x23: {  	_ =	task [dreg:s6], $0x5FFFF  }
0x24: {  	[dreg:$0x1] =	wrdreg $0xFFFFFFFF  }
0x25: {  	[dreg:$0x0] =	wrdreg $0x60  }
0x26: {  	[dreg:$0x2] =	wrdreg s25  }
0x27: {  	[dreg:$0x3] =	wrdreg $0x9  }
0x28: {  	_ =	task.clear_ibuf [dreg:s6], $0x4FFFF;
	_ =	strace $0x90000046  }
0x29: {  	s29 =	simm.s32 $0x9;
	_ =	strace $0x80000048  }
0x2a: {  	_ =	swait.ge [sflag:s29], $0x1  }
0x2b: {  	[sflag:s29] =	ssyncadd.s32 $0xFFFFFFFF  }
0x2c: {  	_ =	strace $0x90000048  }
0x2d: {  	_ =	sfence  }
0x2e: {  	s30 =	sld [smem:$0x0];
	_ =	sdelay $0x2  }
0x2f: {  	s31 =	sshll.u32 s3, $0xD;
	s3 =	sshrl.u32 s3, $0x2  }
0x30: {  	s2 =	sand.u32 $0x4000, s31;
	s1 =	sadd.s32 s3, s30  }
0x31: {  	s0 =	sor.u32 s2, s0;
	s1 =	sshll.u32 s1, $0x11  }
0x32: {  	s0 =	sor.u32 s1, s0  }
0x33: {  	s0 =	sadd.s32 $0x8F2B, s0  }
0x34: {  	[sflag:s0] =	ssyncadd.remote.s32 $0x1  }
0x35: {  	_ =	sfence.sel $0xFFFF  }
0x36: {  	[dreg:$0x0] =	wrdreg $0xFFFFFFFF;
	(pc) =	sbr.abs _section_cstart, $3  }
0x37: {  	[dreg:$0x1] =	wrdreg $0xFFFFFFFF  }
0x38: {  	_ =	task.clear_ibuf [dreg:s6], $0x2FFFF;
	_ =	strace $0x9FFFFFFF  }
0x39: {  	(tm) =	ssettm $0x7FFFFFFF  }
tec
execute0_lowered:
.L_overlay_start_1:
0x0: {  	(tag) =	ssettag $0x1  }
0x1: {  	s0 =	srdreg.scid  }
0x2: {  	s0 =	sshll.u32 s0, $0x4  }
0x3: {  	s1 =	stileid.u32;
	s0 =	sand.u32 $0x10, s0  }
0x4: {  	s0 =	sor.u32 s1, s0  }
0x5: {  	s10 =	sshll.u32 s0, $0x7  }
0x6: {  	s2 =	rddreg [dreg:$0x0];
	s0 =	ssub.s32 $0x18680, s10  }
0x7: {  	_ =	strace $0x80000047;
	s29 =	simm.s32 $0x1;
	s0 =	sshrl.u32 s0, $0xC  }
0x8: {  	s30 =	simm.s32 $0x2;
	s14 =	simm.s32 $0x0;
	s0 =	smul.u32 $0x5, s0  }
.Ltmp0:
0x9: {  	s9 =	simm.s32 $0x0;
	s2 =	sadd.s32 $0x98BC00, s2;
	(pc) =	sbr.rel .LBB1_1-.Ltmp0, $4  }
0xa: {  	s8 =	simm.s32 $0x0;
	s11 =	simm.s32 $0x0;
	[dreg:$0x3] =	wrdreg s2  }
0xb: {  	s12 =	simm.s32 $0x0;
	[dreg:$0x2] =	wrdreg s10;
	s31 =	sadd.s32 $0x5, s0  }
0xc: {  	[sflag:s29] =	ssyncpa.u1 $0x0;
	s7 =	sadd.s32 $0x6, s0;
	[dreg:$0x4] =	wrdreg s31  }
0xd: {  	s13 =	simm.s32 $0x0;
	[sflag:s30] =	ssyncpa.u1 $0x0;
	[dreg:$0x5] =	wrdreg s7  }
.LBB1_12:
0xe: {  	s8 =	rddreg [dreg:$0x6];
	s1 =	sshll.u32 s11, $0x3  }
0xf: {  	s26 =	sand.u32 $0x7F, s11;
	s5 =	rddreg [dreg:$0xa];
	s0 =	sshrl.u32 s8, $0x3  }
0x10: {  	s4 =	smov.u32 s11;
	s6 =	rddreg [dreg:$0x9];
	s0 =	smul.u32 $0x1400, s0  }
0x11: {  	s30 =	rddreg [dreg:$0x0];
	s1 =	sand.u32 $0xFFFFFC00, s1;
	s2 =	sshll.u32 s8, $0x7  }
0x12: {  	s31 =	simm.s32 $0x1400;
	s25 =	sand.u32 $0x380, s2;
	s0 =	sadd.s32 s1, s0  }
0x13: {  	p0 =	sgt.s32 s8, $0x18620;
	s2 =	smov.u32 s8;
	s0 =	sor.u32 s25, s0  }
0x14: {  	s2 =	simm.s32 @!p0 $0x18620;
	s1 =	sor.u32 s26, s0;
	s0 =	smulhi.u32 $0xCCCCCCCD, s0  }
0x15: {  	s7 =	rddreg [dreg:$0x5];
	p0 =	sgt.s32 s11, $0x200;
	s2 =	sadd.s32 s5, s2  }
0x16: {  	s4 =	simm.s32 @!p0 $0x200;
	s3 =	smulhi.u32 $0xCCCCCCCD, s1;
	s0 =	sshrl.u32 s0, $0x9  }
0x17: {  	s4 =	sadd.s32 s6, s4;
	s28 =	sadd.s32 $0xFFFE79E0, s2;
	s27 =	smulhi.u32 $0xA7C5AD, s0  }
0x18: {  	s2 =	ssub.s32 $0x186A0, s2;
	p0 =	sgt.s32 s28, $0x7F;
	s3 =	sshrl.u32 s3, $0x9  }
0x19: {  	s29 =	sadd.s32 $0xFFFFFE00, s4;
	s3 =	smul.u32 $0x280, s3;
	s5 =	sshrl.u32 s27, $0x8  }
0x1a: {  	s4 =	ssub.s32 $0x280, s4;
	p1 =	sgt.s32 s29, $0x7F;
	s5 =	smul.u32 $0x186A0, s5  }
0x1b: {  	s9 =	rddreg [dreg:$0x7];
	s2 =	simm.s32 @p0 $0x0;
	s4 =	simm.s32 @p1 $0x0  }
0x1c: {  	s2 =	smul.u32 s4, s2;
	s1 =	ssub.s32 s1, s3;
	s0 =	ssub.s32 s0, s5  }
0x1d: {  	s3 =	sshrl.u32 s1, $0x3;
	s1 =	sand.u32 $0x7, s1;
	s0 =	smul.u32 $0x50, s0  }
0x1e: {  	s14 =	rddreg [dreg:$0x8];
	s3 =	sadd.s32 s30, s3;
	s1 =	sshll.u32 s1, $0x12  }
0x1f: {  	s2 =	sand.u32 $0x3FFFFFFF, s2;
	s1 =	sor.u32 $0x400, s1;
	s0 =	sadd.s32 s0, s3  }
0x20: {  	[hbm4b:s0+s1] =	stream.strided.scatter [tilespmem:s17], [sflag:$0x2], s2, s31, s1, $0x20;
	[tilespmem:$0x10100] =	vst v63  }
.LBB1_13:
0x21: {  	p0 =	slt.u32 s13, $0x2  }
0x22: {  	s1 =	smov.u32 s14;
	s2 =	smov.u32 s9;
	p1 =	sgt.s32 @!p0 s14, $0x18620  }
0x23: {  	s0 =	sshra.s32 @!p0 s14, $0x1F;
	p2 =	sgt.s32 @!p0 s9, $0x200;
	s3 =	sshra.s32 @!p0 s9, $0x1F  }
0x24: {  	p1 =	por !p1, p0;
	s0 =	sand.u32 @!p0 s0, s14;
	p2 =	por !p2, p0  }
0x25: {  	s3 =	sand.u32 @!p0 s3, s9;
	s1 =	simm.s32 @p1 $0x18620;
	s2 =	simm.s32 @p2 $0x200  }
0x26: {  	s0 =	ssub.s32 @!p0 s1, s0;
	s1 =	ssub.s32 @!p0 s2, s3  }
0x27: {  	s2 =	sadd.s32 @!p0 $0xFFFE79E0, s0;
	s3 =	sadd.s32 @!p0 $0xFFFFFE00, s1  }
0x28: {  	s0 =	ssub.s32 @!p0 $0x186A0, s0;
	p1 =	sgt.s32 @!p0 s2, $0x7F;
	p2 =	sgt.s32 @!p0 s3, $0x7F  }
0x29: {  	s1 =	ssub.s32 @!p0 $0x280, s1;
	p1 =	por !p1, p0;
	p2 =	por !p2, p0  }
0x2a: {  	s0 =	simm.s32 @!p1 $0x0;
	s1 =	simm.s32 @!p2 $0x0  }
0x2b: {  	s0 =	smul.u32 @!p0 s1, s0  }
0x2c: {  	s4 =	smov.u32 s12  }
0x2d: {  	s2 =	simm.s32 @!p0 $0x2;
	s1 =	sadd.s32 $0x1000, s10;
	s0 =	sand.u32 @!p0 $0x3FFFFFFF, s0  }
0x2e: {  	s3 =	sadd.s32 $0x80, s12;
	p1 =	sgt.s32 s1, $0x1869F;
	_ =	swait.ge @!p0 [sflag:s2], s0  }
0x2f: {  	s4 =	smov.u32 @p1 s3;
	s3 =	rddreg [dreg:$0x2]  }
0x30: {  	s1 =	smov.u32 @p1 s3;
	p1 =	sgt.s32 s4, $0x270  }
0x31: {  	s4 =	simm.s32 @p1 $0x0;
	p1 =	sne.s32 s13, s7  }
.Ltmp1:
0x32: {  	_ = 	snop;
	(pc) =	sbr.rel @!p1 .LBB1_14-.Ltmp1, $4  }
0x33: {  	s14 =	smov.u32 s8  }
0x34: {  	s9 =	smov.u32 s11;
	s0 =	ssub.s32 @!p0 $0x0, s0;
	[sflag:s2] =	ssyncset.done @!p0 $0x0  }
0x35: {  	s8 =	smov.u32 s10;
	s11 =	smov.u32 s12;
	[sflag:s2] =	ssyncadd.s32 @!p0 s0  }
0x36: {  	s13 =	sadd.s32 $0x1, s13;
	s10 =	smov.u32 s1;
	s12 =	smov.u32 s4  }
.LBB1_1:
0x37: {  	s0 =	rddreg [dreg:$0x4]  }
0x38: {  	p0 =	sge.u32 s13, s0  }
0x39: {  	s0 =	sshrl.u32 @!p0 s12, $0x3  }
0x3a: {  	s1 =	sshll.u32 @!p0 s10, $0x3;
	s0 =	smul.u32 @!p0 $0xC3800, s0  }
0x3b: {  	s5 =	smov.u32 s10;
	s2 =	sshll.u32 @!p0 s12, $0x7;
	s1 =	sand.u32 @!p0 $0xFFFFFC00, s1  }
0x3c: {  	s3 =	sand.u32 @!p0 $0x7F, s10;
	s0 =	sadd.s32 @!p0 s0, s1;
	s1 =	sand.u32 @!p0 $0x380, s2  }
0x3d: {  	p1 =	sgt.s32 @!p0 s12, $0x1F8;
	s4 =	sshra.s32 @!p0 s12, $0x1F;
	s0 =	sor.u32 @!p0 s1, s0  }
0x3e: {  	s6 =	sshra.s32 @!p0 s10, $0x1F;
	p1 =	por !p1, p0;
	s1 =	smulhi.u32 @!p0 $0xA79C7B17, s0  }
0x3f: {  	s4 =	sand.u32 @!p0 s4, s12;
	s0 =	sor.u32 @!p0 s3, s0;
	s3 =	smov.u32 s12  }
0x40: {  	s3 =	simm.s32 @p1 $0x1F8;
	p1 =	sgt.s32 @!p0 s10, $0x18680;
	s1 =	sshrl.u32 @!p0 s1, $0x10  }
0x41: {  	p1 =	por !p1, p0;
	s3 =	ssub.s32 @!p0 s3, s4;
	s2 =	smul.u32 @!p0 $0xCF65, s1  }
0x42: {  	s4 =	sand.u32 @!p0 s6, s10;
	s6 =	smulhi.u32 @!p0 $0xA79C7B17, s0;
	s5 =	simm.s32 @p1 $0x18680  }
0x43: {  	s4 =	ssub.s32 @!p0 s5, s4;
	s5 =	sadd.s32 @!p0 $0xFFFFFE08, s3;
	s2 =	sshrl.u32 @!p0 s2, $0x19  }
0x44: {  	p1 =	sgt.s32 @!p0 s5, $0x7F;
	s5 =	sshrl.u32 @!p0 s6, $0x10;
	s2 =	smul.u32 @!p0 $0x278, s2  }
0x45: {  	s3 =	ssub.s32 @!p0 $0x278, s3;
	s5 =	smul.u32 @!p0 $0x18700, s5  }
0x46: {  	p1 =	por !p1, p0;
	s1 =	ssub.s32 @!p0 s1, s2;
	s2 =	sadd.s32 @!p0 $0xFFFE7980, s4  }
0x47: {  	s3 =	simm.s32 @!p1 $0x0;
	s4 =	ssub.s32 @!p0 $0x18700, s4;
	p2 =	sgt.s32 @!p0 s2, $0x7F  }
0x48: {  	s0 =	ssub.s32 @!p0 s0, s5;
	s1 =	sand.u32 @!p0 $0xFFFF, s1;
	p2 =	por !p2, p0  }
0x49: {  	s2 =	sxor.u32 @!p0 $0xFFFFFFFF, s13;
	s1 =	smul.u32 @!p0 $0x30E0, s1;
	s4 =	simm.s32 @!p2 $0x0  }
0x4a: {  	s5 =	rddreg [dreg:$0x3];
	s2 =	sshll.u32 @!p0 s2, $0xE;
	s3 =	smul.u32 @!p0 s3, s4  }
0x4b: {  	s2 =	sand.u32 @!p0 $0x4000, s2;
	s4 =	sshrl.u32 @!p0 s0, $0x3;
	s0 =	sand.u32 @!p0 $0x7, s0  }
0x4c: {  	s4 =	sadd.s32 @!p0 s5, s4;
	s0 =	sshll.u32 @!p0 s0, $0x12;
	s3 =	sand.u32 @!p0 $0x3FFFFFFF, s3  }
0x4d: {  	s1 =	sadd.s32 @!p0 s1, s4;
	s0 =	sor.u32 @!p0 $0x400, s0;
	s4 =	simm.s32 @!p0 $0xC3800  }
0x4e: {  	[tilespmem:s2], [sflag:$0x1] =	stream.strided.gather @!p0 [hbm4b:s1+s0], s3, s4, s0, $0x38;
	[tilespmem:$0x10100] =	vst v63  }
0x4f: {  	p0 =	seq.s32 s13, $0x0  }
0x50: {  	p1 =	sge.u32 @!p0 s13, s7  }
0x51: {  	p0 =	por p0, p1  }
.Ltmp2:
0x52: {  	_ = 	snop;
	(pc) =	sbr.rel @p0 .LBB1_13-.Ltmp2, $1  }
0x53: {  	_ =	sdelay $0x3  }
0x54: {  	s0 =	ssub.s32 $0x0, s11;
	s1 =	sshra.s32 s11, $0x1F;
	p0 =	sgt.s32 s11, $0x1F8  }
0x55: {  	s2 =	smov.u32 s11;
	s25 =	ssub.s32 $0x0, s8;
	s26 =	sshra.s32 s8, $0x1F  }
0x56: {  	s3 =	smov.u32 s8;
	s2 =	simm.s32 @!p0 $0x1F8;
	p0 =	sgt.s32 s8, $0x18680  }
0x57: {  	s4 =	sand.u32 s0, s1;
	s1 =	sand.u32 s25, s26;
	s3 =	simm.s32 @!p0 $0x18680  }
0x58: {  	s2 =	sadd.s32 s4, s2;
	[dreg:$0xa] =	wrdreg s1;
	s1 =	sadd.s32 s1, s3  }
0x59: {  	s27 =	sadd.s32 $0xFFFFFE08, s2;
	s2 =	ssub.s32 $0x278, s2;
	s28 =	sadd.s32 $0xFFFE7980, s1  }
0x5a: {  	p0 =	sgt.s32 s27, $0x7F;
	s0 =	ssub.s32 $0x18700, s1;
	p1 =	sgt.s32 s28, $0x7F  }
0x5b: {  	s2 =	simm.s32 @p0 $0x0;
	s0 =	simm.s32 @p1 $0x0  }
0x5c: {  	s29 =	smul.u32 s2, s0;
	s2 =	sadd.s32 $0x80, s11  }
0x5d: {  	p0 =	slt.s32 s2, $0x271  }
0x5e: {  	s2 =	simm.s32 @!p0 $0x271  }
0x5f: {  	[dreg:$0x8] =	wrdreg s14;
	s19 =	ssub.s32 s2, s11  }
0x60: {  	[dreg:$0x7] =	wrdreg s9;
	p0 =	slt.s32 s19, $0x1  }
.Ltmp3:
0x61: {  	[dreg:$0x6] =	wrdreg s8;
	s30 =	simm.s32 $0x1;
	(pc) =	sbr.rel @p0 .LBB1_12-.Ltmp3, $4  }
0x62: {  	[dreg:$0x9] =	wrdreg s4;
	s0 =	sand.u32 $0x1, s13;
	s1 =	sand.u32 $0x3FFFFFFF, s29  }
0x63: {  	s31 =	smul.u32 $0x4080, s0;
	_ =	swait.ge [sflag:s30], s1  }
0x64: {  	s1 =	ssub.s32 $0x0, s1;
	[sflag:s30] =	ssyncset.done $0x0  }
0x65: {  	s17 =	sor.u32 $0x8000, s31;
	[sflag:s30] =	ssyncadd.s32 s1  }
0x66: {  	s2 =	rddreg [dreg:$0x6]  }
0x67: {  	s1 =	sadd.s32 $0x80, s2  }
0x68: {  	p0 =	slt.s32 s1, $0x186A0  }
.Ltmp4:
0x69: {  	s1 =	simm.s32 @!p0 $0x186A0;
	(pc) =	sbr.rel .LBB1_4-.Ltmp4, $4  }
0x6a: {  	s22 =	sshll.u32 s0, $0xE;
	s1 =	ssub.s32 s1, s2  }
0x6b: {  	s24 =	simm.s32 $0x0;
	s25 =	simm.s32 $0x400;
	s1 =	sadd.s32 $0xF, s1  }
0x6c: {  	s20 =	sand.u32 $0xFFFFFFF0, s1;
	s21 =	sand.u32 $0xFFFFFF00, s1;
	s31 =	sshll.u32 s1, $0x3  }
0x6d: {  	p0 =	slt.s32 s1, $0x100;
	s23 =	sand.u32 $0xFFFFF800, s31;
	p1 =	sge.s32 s21, s20  }
.LBB1_11:
0x6e: {  	s24 =	sadd.s32 $0x1, s24  }
0x6f: {  	p2 =	sne.s32 s24, s19  }
.Ltmp5:
0x70: {  	_ = 	snop;
	(pc) =	sbr.rel @!p2 .LBB1_12-.Ltmp5, $2  }
0x71: {  	_ =	sdelay $0x2  }
0x72: {  	s25 =	sadd.s32 $0x80, s25  }
.LBB1_4:
.Ltmp6:
0x73: {  	(pc) =	sbr.rel @p0 .LBB1_8-.Ltmp6, $2  }
0x74: {  	_ =	sdelay $0x2  }
0x75: {  	s26 =	sshll.u32 s24, $0x7;
	s27 =	sand.u32 $0x7F, s24  }
0x76: {  	s0 =	sshll.u32 s24, $0x3  }
0x77: {  	s5 =	sand.u32 $0x380, s26;
	s3 =	sshrl.u32 s0, $0x7  }
0x78: {  	s2 =	sadd.s32 $0x800, s0;
	s6 =	sadd.s32 $0x1000, s0;
	s18 =	sadd.s32 s5, s22  }
0x79: {  	s9 =	sadd.s32 $0x1800, s0;
	s16 =	sadd.s32 $0x2800, s0;
	s7 =	sadd.s32 $0x3000, s0  }
0x7a: {  	s0 =	sadd.s32 $0x3800, s0;
	s1 =	sand.u32 $0x78, s3;
	s2 =	sshrl.u32 s2, $0x7  }
0x7b: {  	s8 =	sshrl.u32 s6, $0x7;
	s6 =	sshrl.u32 s9, $0x7;
	s9 =	sshrl.u32 s0, $0x7  }
0x7c: {  	v0 =	vmov s18;
	s18 =	sand.u32 $0x3C00, s25;
	s4 =	smul.u32 $0x204, s1;
	s2 =	sand.u32 $0x78, s2  }
0x7d: {  	s5 =	sand.u32 $0x78, s8;
	s14 =	sand.u32 $0x78, s6;
	s2 =	smul.u32 $0x204, s2  }
0x7e: {  	s1 =	sxor.u32 $0x40, s1;
	s8 =	sshrl.u32 s7, $0x7;
	s5 =	smul.u32 $0x204, s5  }
0x7f: {  	s7 =	sadd.s32 $0x30, s3;
	s1 =	smul.u32 $0x204, s1;
	s4 =	sshrl.u32 s4, $0x2  }
0x80: {  	s4 =	sadd.s32 s4, s17;
	s2 =	sshrl.u32 s2, $0x2;
	s15 =	sshrl.u32 s5, $0x2  }
0x81: {  	s5 =	sshrl.u32 s16, $0x7;
	s1 =	sshrl.u32 s1, $0x2;
	s16 =	sadd.s32 $0x20, s3  }
0x82: {  	s2 =	sadd.s32 s2, s17;
	s28 =	sadd.s32 s27, s4;
	s4 =	sadd.s32 s15, s17  }
0x83: {  	s6 =	sadd.s32 s1, s17;
	s29 =	sadd.s32 s27, s2;
	s2 =	smul.u32 $0x204, s14  }
0x84: {  	s15 =	sadd.s32 $0x10, s3;
	s30 =	sadd.s32 s27, s4;
	s4 =	sand.u32 $0x78, s5  }
0x85: {  	s5 =	sand.u32 $0x78, s15;
	s4 =	smul.u32 $0x204, s4;
	s2 =	sshrl.u32 s2, $0x2  }
0x86: {  	s31 =	sadd.s32 s27, s6;
	s5 =	smul.u32 $0x204, s5;
	s2 =	sadd.s32 s2, s17  }
0x87: {  	s4 =	sshrl.u32 s4, $0x2;
	s1 =	sadd.s32 s27, s2;
	s2 =	sand.u32 $0x78, s8  }
0x88: {  	s14 =	sand.u32 $0x78, s9;
	s4 =	sadd.s32 s4, s17;
	s2 =	smul.u32 $0x204, s2  }
0x89: {  	s6 =	sand.u32 $0x78, s16;
	s0 =	sadd.s32 s27, s4;
	s4 =	smul.u32 $0x204, s14  }
0x8a: {  	s5 =	sshrl.u32 s5, $0x2;
	s14 =	sadd.s32 $0x60, s3;
	s2 =	sshrl.u32 s2, $0x2  }
0x8b: {  	s14 =	sand.u32 $0x78, s14;
	s4 =	sshrl.u32 s4, $0x2;
	s2 =	sadd.s32 s2, s17  }
0x8c: {  	s14 =	smul.u32 $0x204, s14;
	s8 =	sadd.s32 s27, s2;
	s2 =	sadd.s32 s4, s17  }
0x8d: {  	s4 =	smul.u32 $0x204, s6;
	s6 =	sand.u32 $0x78, s7;
	s7 =	sadd.s32 $0x50, s3  }
0x8e: {  	s3 =	sadd.s32 $0x70, s3;
	s6 =	smul.u32 $0x204, s6;
	s7 =	sand.u32 $0x78, s7  }
0x8f: {  	v1 =	vld.idx.msk [tilespmem:v0+s18+$0x0 ss:$0x1], $0xffff;
	s5 =	sadd.s32 s5, s17;
	s3 =	sand.u32 $0x78, s3;
	s7 =	smul.u32 $0x204, s7  }
0x90: {  	s14 =	sshrl.u32 s14, $0x2;
	s3 =	smul.u32 $0x204, s3;
	s6 =	sshrl.u32 s6, $0x2  }
0x91: {  	s14 =	sadd.s32 s14, s17;
	s15 =	sadd.s32 s6, s17;
	s6 =	sadd.s32 s27, s5  }
0x92: {  	s7 =	sshrl.u32 s7, $0x2;
	s3 =	sshrl.u32 s3, $0x2;
	s5 =	sadd.s32 s27, s15  }
0x93: {  	s7 =	sadd.s32 s7, s17;
	s9 =	sadd.s32 s3, s17;
	s15 =	sadd.s32 $0xFFFFFC00, s25  }
0x94: {  	[tilespmem:s28+$0x0 ss:$0x81] =	vst.msk $0xffff, v1;
	v1 =	vld.idx.msk [tilespmem:v0+s18+$0x20 ss:$0x1], $0xffff;
	s3 =	sadd.s32 s27, s7;
	s7 =	sadd.s32 s27, s14;
	s14 =	sand.u32 $0x3C00, s15  }
0x95: {  	v2 =	vld.idx.msk [tilespmem:v0+s14+$0x70 ss:$0x1], $0xffff  }
0x96: {  	v3 =	vld.idx.msk [tilespmem:v0+s14+$0x0 ss:$0x1], $0xffff  }
0x97: {  	v4 =	vld.idx.msk [tilespmem:v0+s14+$0x10 ss:$0x1], $0xffff  }
0x98: {  	v5 =	vld.idx.msk [tilespmem:v0+s14+$0x20 ss:$0x1], $0xffff  }
0x99: {  	s2 =	sadd.s32 s27, s2;
	v6 =	vld.idx.msk [tilespmem:v0+s14+$0x30 ss:$0x1], $0xffff  }
0x9a: {  	v7 =	vld.idx.msk [tilespmem:v0+s14+$0x40 ss:$0x1], $0xffff;
	[tilespmem:s2+$0x0 ss:$0x81] =	vst.msk $0xffff, v2  }
0x9b: {  	v8 =	vld.idx.msk [tilespmem:v0+s14+$0x50 ss:$0x1], $0xffff;
	[tilespmem:s28+$0x0 ss:$0x81] =	vst.msk $0xffff, v3  }
0x9c: {  	p2 =	sgt.s32 s21, $0x100;
	v9 =	vld.idx.msk [tilespmem:v0+s14+$0x60 ss:$0x1], $0xffff;
	[tilespmem:s29+$0x0 ss:$0x81] =	vst.msk $0xffff, v4  }
.Ltmp7:
0x9d: {  	v4 =	vld.idx.msk [tilespmem:v0+s18+$0x10 ss:$0x1], $0xffff;
	[tilespmem:s30+$0x0 ss:$0x81] =	vst.msk $0xffff, v5;
	(pc) =	sbr.rel @!p2 .LBB1_7-.Ltmp7, $4  }
0x9e: {  	s4 =	sshrl.u32 s4, $0x2;
	[tilespmem:s1+$0x0 ss:$0x81] =	vst.msk $0xffff, v6;
	v2 =	vld.idx.msk [tilespmem:v0+s18+$0x30 ss:$0x1], $0xffff  }
0x9f: {  	s4 =	sadd.s32 s4, s17;
	[tilespmem:s31+$0x0 ss:$0x81] =	vst.msk $0xffff, v7;
	v3 =	vld.idx.msk [tilespmem:v0+s18+$0x40 ss:$0x1], $0xffff  }
0xa0: {  	s4 =	sadd.s32 s27, s4;
	[tilespmem:s0+$0x0 ss:$0x81] =	vst.msk $0xffff, v8;
	v5 =	vld.idx.msk [tilespmem:v0+s18+$0x50 ss:$0x1], $0xffff  }
0xa1: {  	s16 =	sadd.s32 s27, s9;
	s15 =	sadd.s32 $0x800, s25;
	s14 =	simm.s32 $0x100;
	[tilespmem:s8+$0x0 ss:$0x81] =	vst.msk $0xffff, v9;
	v6 =	vld.idx.msk [tilespmem:v0+s18+$0x60 ss:$0x1], $0xffff  }
.LBB1_6:
0xa2: {  	s9 =	sadd.s32 $0xFFFFFC00, s15;
	s14 =	sadd.s32 $0x100, s14;
	[tilespmem:s6+$0x0 ss:$0x81] =	vst.msk $0xffff, v4;
	v4 =	vld.idx.msk [tilespmem:v0+s18+$0x70 ss:$0x1], $0xffff;
	s18 =	sand.u32 $0x3C00, s15  }
0xa3: {  	s9 =	sand.u32 $0x3C00, s9;
	v7 =	vld.idx.msk [tilespmem:v0+s18+$0x0 ss:$0x1], $0xffff;
	p2 =	slt.s32 s14, s21;
	[tilespmem:s4+$0x0 ss:$0x81] =	vst.msk $0xffff, v1  }
0xa4: {  	v1 =	vld.idx.msk [tilespmem:v0+s9+$0x70 ss:$0x1], $0xffff;
	[tilespmem:s5+$0x0 ss:$0x81] =	vst.msk $0xffff, v2  }
0xa5: {  	v2 =	vld.idx.msk [tilespmem:v0+s9+$0x0 ss:$0x1], $0xffff;
	[tilespmem:s31+$0x0 ss:$0x81] =	vst.msk $0xffff, v3  }
0xa6: {  	v3 =	vld.idx.msk [tilespmem:v0+s9+$0x10 ss:$0x1], $0xffff;
	[tilespmem:s3+$0x0 ss:$0x81] =	vst.msk $0xffff, v5  }
0xa7: {  	v5 =	vld.idx.msk [tilespmem:v0+s9+$0x20 ss:$0x1], $0xffff;
	[tilespmem:s7+$0x0 ss:$0x81] =	vst.msk $0xffff, v6  }
0xa8: {  	v6 =	vld.idx.msk [tilespmem:v0+s9+$0x30 ss:$0x1], $0xffff;
	[tilespmem:s16+$0x0 ss:$0x81] =	vst.msk $0xffff, v4  }
0xa9: {  	v8 =	vld.idx.msk [tilespmem:v0+s9+$0x40 ss:$0x1], $0xffff;
	[tilespmem:s28+$0x0 ss:$0x81] =	vst.msk $0xffff, v7  }
0xaa: {  	v7 =	vld.idx.msk [tilespmem:v0+s9+$0x50 ss:$0x1], $0xffff;
	[tilespmem:s2+$0x0 ss:$0x81] =	vst.msk $0xffff, v1  }
0xab: {  	[tilespmem:s28+$0x0 ss:$0x81] =	vst.msk $0xffff, v2;
	v9 =	vld.idx.msk [tilespmem:v0+s9+$0x60 ss:$0x1], $0xffff  }
0xac: {  	[tilespmem:s29+$0x0 ss:$0x81] =	vst.msk $0xffff, v3;
	v4 =	vld.idx.msk [tilespmem:v0+s18+$0x10 ss:$0x1], $0xffff  }
.Ltmp8:
0xad: {  	[tilespmem:s30+$0x0 ss:$0x81] =	vst.msk $0xffff, v5;
	v1 =	vld.idx.msk [tilespmem:v0+s18+$0x20 ss:$0x1], $0xffff;
	(pc) =	sbr.rel @p2 .LBB1_6-.Ltmp8, $4  }
0xae: {  	[tilespmem:s1+$0x0 ss:$0x81] =	vst.msk $0xffff, v6;
	v2 =	vld.idx.msk [tilespmem:v0+s18+$0x30 ss:$0x1], $0xffff  }
0xaf: {  	[tilespmem:s31+$0x0 ss:$0x81] =	vst.msk $0xffff, v8;
	v3 =	vld.idx.msk [tilespmem:v0+s18+$0x40 ss:$0x1], $0xffff  }
0xb0: {  	[tilespmem:s0+$0x0 ss:$0x81] =	vst.msk $0xffff, v7;
	v5 =	vld.idx.msk [tilespmem:v0+s18+$0x50 ss:$0x1], $0xffff  }
0xb1: {  	s15 =	sadd.s32 $0x800, s15;
	[tilespmem:s8+$0x0 ss:$0x81] =	vst.msk $0xffff, v9;
	v6 =	vld.idx.msk [tilespmem:v0+s18+$0x60 ss:$0x1], $0xffff  }
.LBB1_7:
0xb2: {  	_ =	sdelay $0x2  }
0xb3: {  	[tilespmem:s6+$0x0 ss:$0x81] =	vst.msk $0xffff, v4  }
0xb4: {  	v0 =	vld.idx.msk [tilespmem:v0+s18+$0x70 ss:$0x1], $0xffff;
	[tilespmem:s4+$0x0 ss:$0x81] =	vst.msk $0xffff, v1  }
0xb5: {  	[tilespmem:s5+$0x0 ss:$0x81] =	vst.msk $0xffff, v2  }
0xb6: {  	[tilespmem:s31+$0x0 ss:$0x81] =	vst.msk $0xffff, v3  }
0xb7: {  	[tilespmem:s3+$0x0 ss:$0x81] =	vst.msk $0xffff, v5  }
0xb8: {  	[tilespmem:s7+$0x0 ss:$0x81] =	vst.msk $0xffff, v6  }
0xb9: {  	[tilespmem:s16+$0x0 ss:$0x81] =	vst.msk $0xffff, v0  }
.LBB1_8:
.Ltmp9:
0xba: {  	(pc) =	sbr.rel @p1 .LBB1_11-.Ltmp9, $1  }
0xbb: {  	_ =	sdelay $0x3  }
0xbc: {  	s1 =	sand.u32 $0x380, s26;
	s0 =	sshrl.u32 s24, $0x4;
	s2 =	sadd.s32 s27, s17  }
0xbd: {  	s3 =	smov.u32 s23;
	s4 =	smov.u32 s21;
	s1 =	sadd.s32 s1, s22  }
.LBB1_10:
0xbe: {  	s5 =	sand.u32 $0x3C00, s3  }
0xbf: {  	s5 =	sadd.s32 s26, s5  }
0xc0: {  	s5 =	sand.u32 $0x3C00, s5  }
0xc1: {  	s6 =	sand.u32 $0x70, s4;
	s30 =	sadd.s32 s4, s0;
	s5 =	sadd.s32 s5, s1  }
0xc2: {  	s4 =	sadd.s32 $0x10, s4;
	s31 =	sand.u32 $0x78, s30;
	s5 =	sadd.s32 s6, s5  }
0xc3: {  	p2 =	slt.s32 s4, s20;
	v0 =	vld [tilespmem:s5+$0x0];
	s5 =	smul.u32 $0x204, s31  }
.Ltmp10:
0xc4: {  	_ = 	snop;
	(pc) =	sbr.rel @p2 .LBB1_10-.Ltmp10, $4  }
0xc5: {  	_ = 	snop  }
0xc6: {  	s5 =	sshrl.u32 s5, $0x2  }
0xc7: {  	s5 =	sadd.s32 s5, s2  }
0xc8: {  	s3 =	sadd.s32 $0x80, s3;
	[tilespmem:s5+$0x0 ss:$0x81] =	vst.msk $0xffff, v0  }
.Ltmp11:
0xc9: {  	_ = 	snop;
	(pc) =	sbr.rel .LBB1_11-.Ltmp11, $1  }
0xca: {  	_ =	sdelay $0x3  }
.LBB1_14:
0xcb: {  	_ =	sfence.sel $0x180000  }
0xcc: {  	s0 =	simm.s32 $0x1;
	[bflag:$0x0] =	sbarrier.arrive $0xFFFF  }
0xcd: {  	s30 =	simm.s32 $0x2;
	[sflag:s0] =	ssyncpa.u1 $0x1  }
0xce: {  	[sflag:s30] =	ssyncpa.u1 $0x1  }
0xcf: {  	_ =	strace $0x90000047  }
0xd0: {  	s31 =	stileid.u32;
	[bflag:$0x2] =	sbarrier.arrive $0xFFFF  }
0xd1: {  	p0 =	sne.s32 s31, $0x0;
	s0 =	rddreg [dreg:$0x1]  }
0xd2: {  	s0 =	sadd.s32 @!p0 $0x100000, s0  }
0xd3: {  	[sflag:s0] =	ssyncadd.tile.s32 @!p0 $0x1;
	_ =	shalt  }
.Lfunc_end1:
_tile_overlayer_lowered:
.L_overlay_start_2:
0xd4: {  	(tag) =	ssettag $0x2  }
0xd5: {  	s0 =	rddreg [dreg:$0x0];
	s2 =	stileid.u32  }
0xd6: {  	s1 =	rddreg [dreg:$0x1];
	p0 =	sne.s32 s2, $0x0  }
0xd7: {  	s3 =	rddreg [dreg:$0x2];
	[bflag:$0x3] =	sbarrier.arrive $0xFFFF;
	s2 =	simm.s32 @!p0 $0x1C01  }
0xd8: {  	[timem:s3], [sflag:s2] =	dma.local @!p0 [hbm:s0], s1  }
0xd9: {  	s0 =	simm.s32 @!p0 $0x1  }
0xda: {  	_ =	swait.ge @!p0 [sflag:s0], s1  }
0xdb: {  	s1 =	ssub.s32 @!p0 $0x0, s1;
	[sflag:s0] =	ssyncset.done @!p0 $0x0  }
0xdc: {  	[sflag:s0] =	ssyncadd.s32 @!p0 s1  }
0xdd: {  	[bflag:$0x3] =	sbarrier.arrive $0xFFFF  }
0xde: {  	_ =	shalt  }

</sc_bundles>
